<compile_context>
chip_gen: v7x
topology: tpu7x:2x2x1
jax: 0.10.2.dev20260603
libtpu: 0.0.44.dev20260713+nightly
codegen_flags: <defaults>
</compile_context>

<pallas_src>
import functools
import jax
import jax.numpy as jnp
from jax import lax
from jax.experimental import pallas as pl
from jax.experimental.pallas import tpu as pltpu
from jax.experimental.pallas import tpu_sc as plsc

N = 10000
E = 320000
D = 128
G = 64
CG = 32
NCORE = 2
NSUB = 16
NWORK = NCORE * NSUB
CH = 128
NCHUNK_TOT = E // CH
CPT = 78
NEXTRA = NCHUNK_TOT - CPT * NWORK
IB = 26
NBATCH = CPT // IB
ROWS_PT = N // NSUB
ZROWS = 125

RB = 1000
NBLK = N // RB



def _onehot_f32(b_idx):
    iota = lax.broadcasted_iota(jnp.int32, (RB, G), 1)
    return jnp.where(b_idx[:, None] == iota, 1.0, 0.0).astype(jnp.float32)


def _proj_body(x_ref, b_ref, cond_ref, gf_ref, w1a_ref, p1_ref):
    cg = jnp.concatenate([cond_ref[...], gf_ref[...]], axis=1)
    gp1 = jnp.dot(cg, w1a_ref[D:], preferred_element_type=jnp.float32)
    oh = _onehot_f32(b_ref[0, 0, :])
    p1_ref[...] = (
        jnp.dot(x_ref[...], w1a_ref[:D], preferred_element_type=jnp.float32)
        + jnp.dot(oh, gp1, preferred_element_type=jnp.float32)
    )


def _mid_body(p_ref, a_ref, b_ref, cond_ref, gf_ref, ba_ref, wb_ref, bb_ref,
              w2a_ref, o_ref):
    z = p_ref[...] + a_ref[0] + a_ref[1] + ba_ref[...][None, :]
    t = jnp.where(z >= 0, z, 0.01 * z)
    x1 = jnp.dot(t, wb_ref[...], preferred_element_type=jnp.float32) + bb_ref[...][None, :]
    cg = jnp.concatenate([cond_ref[...], gf_ref[...]], axis=1)
    gp2 = jnp.dot(cg, w2a_ref[D:], preferred_element_type=jnp.float32)
    oh = _onehot_f32(b_ref[0, 0, :])
    o_ref[...] = (
        jnp.dot(x1, w2a_ref[:D], preferred_element_type=jnp.float32)
        + jnp.dot(oh, gp2, preferred_element_type=jnp.float32)
    )


def _final_body(p_ref, a_ref, ba_ref, wb_ref, bb_ref, o_ref):
    z = p_ref[...] + a_ref[0] + a_ref[1] + ba_ref[...][None, :]
    t = jnp.where(z >= 0, z, 0.01 * z)
    o_ref[...] = (jnp.dot(t, wb_ref[...], preferred_element_type=jnp.float32)
                  + bb_ref[...][None, :])


_row_spec = pl.BlockSpec((RB, D), lambda i: (i, 0))
_batch_spec = pl.BlockSpec((1, 1, RB), lambda i: (i, 0, 0))
_agg_spec = pl.BlockSpec((NCORE, RB, D), lambda i: (0, i, 0))


def _full_spec(r, c):
    return pl.BlockSpec((r, c), lambda i: (0, 0))


def _vec_spec():
    return pl.BlockSpec((D,), lambda i: (0,))


_nd_f32 = jax.ShapeDtypeStruct((N, D), jnp.float32)

_proj_call = pl.pallas_call(
    _proj_body,
    grid=(NBLK,),
    in_specs=[_row_spec, _batch_spec, _full_spec(G, 16), _full_spec(G, 16),
              _full_spec(D + CG, D)],
    out_specs=_row_spec,
    out_shape=_nd_f32,
)

_mid_call = pl.pallas_call(
    _mid_body,
    grid=(NBLK,),
    in_specs=[_row_spec, _agg_spec, _batch_spec, _full_spec(G, 16),
              _full_spec(G, 16), _vec_spec(), _full_spec(D, D), _vec_spec(),
              _full_spec(D + CG, D)],
    out_specs=_row_spec,
    out_shape=_nd_f32,
)

_final_call = pl.pallas_call(
    _final_body,
    grid=(NBLK,),
    in_specs=[_row_spec, _agg_spec, _vec_spec(), _full_spec(D, D),
              _vec_spec()],
    out_specs=_row_spec,
    out_shape=_nd_f32,
)


@functools.cache
def _make_segsum_sc():
  mesh = plsc.VectorSubcoreMesh(core_axis_name="c", subcore_axis_name="s")

  @functools.partial(
      pl.kernel,
      out_type=jax.ShapeDtypeStruct((NCORE, N, D), jnp.float32),
      mesh=mesh,
      compiler_params=pltpu.CompilerParams(use_tc_tiling_on_sc=False,
                                           disable_bounds_checks=True),
      scratch_types=[
          pltpu.VMEM((IB, CH), jnp.int32),
          pltpu.VMEM((IB, CH), jnp.int32),
          pltpu.VMEM((CH, D), jnp.float32),
          pltpu.VMEM((CH, D), jnp.float32),
          pltpu.VMEM_SHARED((N, D), jnp.float32),
          pltpu.SemaphoreType.DMA,
          pltpu.SemaphoreType.DMA,
      ],
  )
  def _segsum_sc(p_hbm, edges_hbm, out_hbm,
                 src_v, dst_v, rows0, rows1, acc, sem0, sem1):
    c = lax.axis_index("c")
    s = lax.axis_index("s")
    wid = c * NSUB + s
    tchunk0 = wid * CPT

    pltpu.async_copy(edges_hbm.at[0, pl.ds(tchunk0, IB)], src_v, sem0)
    pltpu.async_copy(edges_hbm.at[1, pl.ds(tchunk0, IB)], dst_v, sem1)

    def _zrow(i, carry):
      for j in range(D // 16):
        rows0[i, pl.ds(j * 16, 16)] = jnp.zeros((16,), jnp.float32)
      return carry

    lax.fori_loop(0, CH, _zrow, 0)
    for t in range(ROWS_PT // ZROWS):
      pltpu.sync_copy(rows0.at[pl.ds(0, ZROWS)],
                      acc.at[pl.ds(s * ROWS_PT + t * ZROWS, ZROWS)])
    pltpu.make_async_copy(edges_hbm.at[0, pl.ds(tchunk0, IB)], src_v, sem0).wait()
    pltpu.make_async_copy(edges_hbm.at[1, pl.ds(tchunk0, IB)], dst_v, sem1).wait()
    plsc.subcore_barrier()

    rows = (rows0, rows1)
    sems = (sem0, sem1)

    def _batch(ib, carry):
      bchunk0 = tchunk0 + ib * IB

      @pl.when(ib > 0)
      def _load_idx():
        pltpu.sync_copy(edges_hbm.at[0, pl.ds(bchunk0, IB)], src_v)
        pltpu.sync_copy(edges_hbm.at[1, pl.ds(bchunk0, IB)], dst_v)

      pltpu.async_copy(p_hbm.at[src_v.at[0]], rows0, sem0)
      pltpu.async_copy(p_hbm.at[src_v.at[1]], rows1, sem1)

      def _pair(k2, carry2):
        for b in range(2):
          k = k2 * 2 + b
          pltpu.make_async_copy(p_hbm.at[src_v.at[k]], rows[b], sems[b]).wait()
          pltpu.sync_copy(rows[b], acc.at[dst_v.at[k]], add=True)

          @pl.when(k + 2 < IB)
          def _start_next():
            pltpu.async_copy(p_hbm.at[src_v.at[k + 2]], rows[b], sems[b])
        return carry2

      lax.fori_loop(0, IB // 2, _pair, 0)
      return carry

    lax.fori_loop(0, NBATCH, _batch, 0)

    @pl.when(wid < NEXTRA)
    def _epilogue():
      kx = CPT * NWORK + wid
      pltpu.sync_copy(edges_hbm.at[0, pl.ds(kx, 1)], src_v.at[pl.ds(0, 1)])
      pltpu.sync_copy(edges_hbm.at[1, pl.ds(kx, 1)], dst_v.at[pl.ds(0, 1)])
      pltpu.async_copy(p_hbm.at[src_v.at[0]], rows0, sem0).wait()
      pltpu.sync_copy(rows0, acc.at[dst_v.at[0]], add=True)

    plsc.subcore_barrier()

    pltpu.sync_copy(acc.at[pl.ds(s * ROWS_PT, ROWS_PT)],
                    out_hbm.at[c, pl.ds(s * ROWS_PT, ROWS_PT)])

  return _segsum_sc




def kernel(x, cond, edge_index, batch, global_features,
           W1a, b1a, W1b, b1b, W2a, b2a, W2b, b2b):
    edges = edge_index.reshape(2, NCHUNK_TOT, CH)
    batch3 = batch.reshape(NBLK, 1, RB)

    segsum_sc = _make_segsum_sc()
    p1 = _proj_call(x, batch3, cond, global_features, W1a)
    agg1 = segsum_sc(p1, edges)
    p2 = _mid_call(p1, agg1, batch3, cond, global_features, b1a, W1b, b1b, W2a)
    agg2 = segsum_sc(p2, edges)
    return _final_call(p2, agg2, b2a, W2b, b2b)

# --- scband reference (transcript-rebuilt; emitter-appended) ---
"""Pipeline reference for scband-mplseq-33672543600979 (READ-ONLY COPY).

The authoritative reference and input builder live on the scoring server;
editing this copy changes nothing except your own understanding.
"""

import jax, jax.numpy as jnp
import numpy as np

N = 10000
E = 320000
D = 128
NC = 16
NG = 16
G = 64
HID = 128


def _ffn(z, Wa, ba, Wb, bb):
    z = z @ Wa + ba
    z = jax.nn.leaky_relu(z, 0.01)
    return z @ Wb + bb


def _gin_layer(h, src, dst, Wa, ba, Wb, bb):
    # GINConv with eps=0: nn((1+eps)*h_i + sum_{j in N(i)} h_j)
    agg = jax.ops.segment_sum(h[src], dst, num_segments=h.shape[0])
    return _ffn(h + agg, Wa, ba, Wb, bb)


def setup_inputs(seed: int = 0) -> dict:
    key = jax.random.key(seed)
    ks = jax.random.split(key, 10)

    def lin(k, fi, fo):
        k1, k2 = jax.random.split(k)
        s = 1.0 / np.sqrt(fi)
        W = jax.random.uniform(k1, (fi, fo), jnp.float32, -s, s)
        b = jax.random.uniform(k2, (fo,), jnp.float32, -s, s)
        return W, b

    x = jax.random.normal(ks[0], (N, D), jnp.float32)
    cond = jax.random.normal(ks[1], (G, NC), jnp.float32)
    global_features = jax.random.normal(ks[2], (G, NG), jnp.float32)
    edge_index = jax.random.randint(ks[3], (2, E), 0, N, dtype=jnp.int32)
    batch = jnp.sort(jax.random.randint(ks[4], (N,), 0, G, dtype=jnp.int32))

    fin = D + NC + NG  # 160: concat(x, cond[batch], global[batch])
    W1a, b1a = lin(ks[5], fin, HID)
    W1b, b1b = lin(ks[6], HID, D)
    W2a, b2a = lin(ks[7], fin, HID)
    W2b, b2b = lin(ks[8], HID, D)

    return {"x": x, "cond": cond, "edge_index": edge_index, "batch": batch,
            "global_features": global_features,
            "W1a": W1a, "b1a": b1a, "W1b": W1b, "b1b": b1b,
            "W2a": W2a, "b2a": b2a, "W2b": W2b, "b2b": b2b}


def reference(x, cond, edge_index, batch, global_features,
              W1a, b1a, W1b, b1b, W2a, b2a, W2b, b2b):
    src = edge_index[0]
    dst = edge_index[1]
    g = jnp.concatenate([cond[batch], global_features[batch]], axis=1)
    # layer 1
    h = jnp.concatenate([x, g], axis=1)
    x = _gin_layer(h, src, dst, W1a, b1a, W1b, b1b)
    # layer 2
    h = jnp.concatenate([x, g], axis=1)
    x = _gin_layer(h, src, dst, W2a, b2a, W2b, b2b)
    return x

if __name__ == "__main__":
    import jax
    _d = setup_inputs()
    print(jax.jit(kernel)(*tuple(_d.values())))

</pallas_src>

<mosaic_0001>
#map = affine_map<(d0, d1) -> (0, 0)>
#map1 = affine_map<(d0, d1) -> (0, 0, 0)>
module attributes {stable_mosaic.version = 14 : i64} {
  func.func @_segsum_sc(%arg0: i32, %arg1: i32, %arg2: memref<10000x128xf32, #tpu.memory_space<hbm>>, %arg3: memref<2x2500x128xi32, #tpu.memory_space<hbm>>, %arg4: memref<2x10000x128xf32, #tpu.memory_space<hbm>>, %arg5: memref<26x128xi32, #tpu.memory_space<vmem>>, %arg6: memref<26x128xi32, #tpu.memory_space<vmem>>, %arg7: memref<128x128xf32, #tpu.memory_space<vmem>>, %arg8: memref<128x128xf32, #tpu.memory_space<vmem>>, %arg9: memref<10000x128xf32, #tpu.memory_space<vmem_shared>>, %arg10: memref<!tpu.dma_semaphore, #tpu.memory_space<semaphore_mem>>, %arg11: memref<!tpu.dma_semaphore, #tpu.memory_space<semaphore_mem>>) attributes {dimension_semantics = [#tpu.dimension_semantics<core_parallel>, #tpu.dimension_semantics<subcore_parallel>], iteration_bounds = array<i64: 2, 16>, scalar_prefetch = 0 : i64, scratch_operands = 7 : i64, tpu.core_type = #tpu.core_type<sc_vector_subcore>, window_params = [{transform_indices = #map}, {transform_indices = #map1}, {transform_indices = #map1}]} {
    %mul3A = arith.constant 16 : i32
    %mul3A_0 = arith.muli %arg0, %mul3A : i32
    %add3A = arith.addi %mul3A_0, %arg1 : i32
    %mul3A_1 = arith.constant 78 : i32
    %mul3A_2 = arith.muli %add3A, %mul3A_1 : i32
    %dma_start3A = arith.constant 0 : i32
    %dma_start3A_3 = arith.constant 0 : i32
    %dma_start3A_4 = tpu.memref_slice %arg3[%dma_start3A, %mul3A_2, %dma_start3A_3] : memref<2x2500x128xi32, #tpu.memory_space<hbm>> -> memref<1x26x128xi32, #tpu.memory_space<hbm>>
    %dma_start3A_5 = tpu.memref_squeeze %dma_start3A_4 : memref<1x26x128xi32, #tpu.memory_space<hbm>> -> memref<26x128xi32, #tpu.memory_space<hbm>>
    %dma_start3A_6 = arith.constant 0 : i32
    %dma_start3A_7 = tpu.memref_slice %arg3[%dma_start3A, %mul3A_2, %dma_start3A_6] : memref<2x2500x128xi32, #tpu.memory_space<hbm>> -> memref<1x26x128xi32, #tpu.memory_space<hbm>>
    %dma_start3A_8 = tpu.memref_squeeze %dma_start3A_7 : memref<1x26x128xi32, #tpu.memory_space<hbm>> -> memref<26x128xi32, #tpu.memory_space<hbm>>
    tpu.enqueue_dma source(%dma_start3A_8 : memref<26x128xi32, #tpu.memory_space<hbm>>) target(%arg5 : memref<26x128xi32, #tpu.memory_space<vmem>>) target_semaphore(%arg10 : memref<!tpu.dma_semaphore, #tpu.memory_space<semaphore_mem>>)
    %dma_start3A_9 = arith.constant 1 : i32
    %dma_start3A_10 = arith.constant 0 : i32
    %dma_start3A_11 = tpu.memref_slice %arg3[%dma_start3A_9, %mul3A_2, %dma_start3A_10] : memref<2x2500x128xi32, #tpu.memory_space<hbm>> -> memref<1x26x128xi32, #tpu.memory_space<hbm>>
    %dma_start3A_12 = tpu.memref_squeeze %dma_start3A_11 : memref<1x26x128xi32, #tpu.memory_space<hbm>> -> memref<26x128xi32, #tpu.memory_space<hbm>>
    %dma_start3A_13 = arith.constant 0 : i32
    %dma_start3A_14 = tpu.memref_slice %arg3[%dma_start3A_9, %mul3A_2, %dma_start3A_13] : memref<2x2500x128xi32, #tpu.memory_space<hbm>> -> memref<1x26x128xi32, #tpu.memory_space<hbm>>
    %dma_start3A_15 = tpu.memref_squeeze %dma_start3A_14 : memref<1x26x128xi32, #tpu.memory_space<hbm>> -> memref<26x128xi32, #tpu.memory_space<hbm>>
    tpu.enqueue_dma source(%dma_start3A_15 : memref<26x128xi32, #tpu.memory_space<hbm>>) target(%arg6 : memref<26x128xi32, #tpu.memory_space<vmem>>) target_semaphore(%arg11 : memref<!tpu.dma_semaphore, #tpu.memory_space<semaphore_mem>>)
    %scan3A = arith.constant 0 : i32
    %scan3A_16 = arith.constant 0 : i32
    %scan3A_17 = arith.constant 128 : i32
    %scan3A_18 = arith.addi %scan3A_16, %scan3A_17 : i32
    %scan3A_19 = arith.constant 1 : i32
    scf.for %scan3A_67 = %scan3A_16 to %scan3A_18 step %scan3A_19  : i32 {
      %broadcast_in_dim3A = arith.constant 0.000000e+00 : f32
      %broadcast_in_dim3A_68 = vector.broadcast %broadcast_in_dim3A : f32 to vector<16xf32>
      %swap3A = arith.index_cast %scan3A_67 : i32 to index
      %swap3A_69 = arith.constant 0 : index
      %swap3A_70 = tpu.vector_load %arg7[%swap3A, %swap3A_69] {strides = array<i32>} : memref<128x128xf32, #tpu.memory_space<vmem>>, vector<1x16xf32>,
      %swap3A_71 = vector.shape_cast %swap3A_70 : vector<1x16xf32> to vector<16xf32>
      %swap3A_72 = vector.shape_cast %broadcast_in_dim3A_68 : vector<16xf32> to vector<1x16xf32>
      tpu.vector_store %arg7[%swap3A, %swap3A_69], %swap3A_72 {strides = array<i32>} : memref<128x128xf32, #tpu.memory_space<vmem>>, vector<1x16xf32>,
      %broadcast_in_dim3A_73 = arith.constant 0.000000e+00 : f32
      %broadcast_in_dim3A_74 = vector.broadcast %broadcast_in_dim3A_73 : f32 to vector<16xf32>
      %swap3A_75 = arith.index_cast %scan3A_67 : i32 to index
      %swap3A_76 = arith.constant 16 : index
      %swap3A_77 = tpu.vector_load %arg7[%swap3A_75, %swap3A_76] {strides = array<i32>} : memref<128x128xf32, #tpu.memory_space<vmem>>, vector<1x16xf32>,
      %swap3A_78 = vector.shape_cast %swap3A_77 : vector<1x16xf32> to vector<16xf32>
      %swap3A_79 = vector.shape_cast %broadcast_in_dim3A_74 : vector<16xf32> to vector<1x16xf32>
      tpu.vector_store %arg7[%swap3A_75, %swap3A_76], %swap3A_79 {strides = array<i32>} : memref<128x128xf32, #tpu.memory_space<vmem>>, vector<1x16xf32>,
      %broadcast_in_dim3A_80 = arith.constant 0.000000e+00 : f32
      %broadcast_in_dim3A_81 = vector.broadcast %broadcast_in_dim3A_80 : f32 to vector<16xf32>
      %swap3A_82 = arith.index_cast %scan3A_67 : i32 to index
      %swap3A_83 = arith.constant 32 : index
      %swap3A_84 = tpu.vector_load %arg7[%swap3A_82, %swap3A_83] {strides = array<i32>} : memref<128x128xf32, #tpu.memory_space<vmem>>, vector<1x16xf32>,
      %swap3A_85 = vector.shape_cast %swap3A_84 : vector<1x16xf32> to vector<16xf32>
      %swap3A_86 = vector.shape_cast %broadcast_in_dim3A_81 : vector<16xf32> to vector<1x16xf32>
      tpu.vector_store %arg7[%swap3A_82, %swap3A_83], %swap3A_86 {strides = array<i32>} : memref<128x128xf32, #tpu.memory_space<vmem>>, vector<1x16xf32>,
      %broadcast_in_dim3A_87 = arith.constant 0.000000e+00 : f32
      %broadcast_in_dim3A_88 = vector.broadcast %broadcast_in_dim3A_87 : f32 to vector<16xf32>
      %swap3A_89 = arith.index_cast %scan3A_67 : i32 to index
      %swap3A_90 = arith.constant 48 : index
      %swap3A_91 = tpu.vector_load %arg7[%swap3A_89, %swap3A_90] {strides = array<i32>} : memref<128x128xf32, #tpu.memory_space<vmem>>, vector<1x16xf32>,
      %swap3A_92 = vector.shape_cast %swap3A_91 : vector<1x16xf32> to vector<16xf32>
      %swap3A_93 = vector.shape_cast %broadcast_in_dim3A_88 : vector<16xf32> to vector<1x16xf32>
      tpu.vector_store %arg7[%swap3A_89, %swap3A_90], %swap3A_93 {strides = array<i32>} : memref<128x128xf32, #tpu.memory_space<vmem>>, vector<1x16xf32>,
      %broadcast_in_dim3A_94 = arith.constant 0.000000e+00 : f32
      %broadcast_in_dim3A_95 = vector.broadcast %broadcast_in_dim3A_94 : f32 to vector<16xf32>
      %swap3A_96 = arith.index_cast %scan3A_67 : i32 to index
      %swap3A_97 = arith.constant 64 : index
      %swap3A_98 = tpu.vector_load %arg7[%swap3A_96, %swap3A_97] {strides = array<i32>} : memref<128x128xf32, #tpu.memory_space<vmem>>, vector<1x16xf32>,
      %swap3A_99 = vector.shape_cast %swap3A_98 : vector<1x16xf32> to vector<16xf32>
      %swap3A_100 = vector.shape_cast %broadcast_in_dim3A_95 : vector<16xf32> to vector<1x16xf32>
      tpu.vector_store %arg7[%swap3A_96, %swap3A_97], %swap3A_100 {strides = array<i32>} : memref<128x128xf32, #tpu.memory_space<vmem>>, vector<1x16xf32>,
      %broadcast_in_dim3A_101 = arith.constant 0.000000e+00 : f32
      %broadcast_in_dim3A_102 = vector.broadcast %broadcast_in_dim3A_101 : f32 to vector<16xf32>
      %swap3A_103 = arith.index_cast %scan3A_67 : i32 to index
      %swap3A_104 = arith.constant 80 : index
      %swap3A_105 = tpu.vector_load %arg7[%swap3A_103, %swap3A_104] {strides = array<i32>} : memref<128x128xf32, #tpu.memory_space<vmem>>, vector<1x16xf32>,
      %swap3A_106 = vector.shape_cast %swap3A_105 : vector<1x16xf32> to vector<16xf32>
      %swap3A_107 = vector.shape_cast %broadcast_in_dim3A_102 : vector<16xf32> to vector<1x16xf32>
      tpu.vector_store %arg7[%swap3A_103, %swap3A_104], %swap3A_107 {strides = array<i32>} : memref<128x128xf32, #tpu.memory_space<vmem>>, vector<1x16xf32>,
      %broadcast_in_dim3A_108 = arith.constant 0.000000e+00 : f32
      %broadcast_in_dim3A_109 = vector.broadcast %broadcast_in_dim3A_108 : f32 to vector<16xf32>
      %swap3A_110 = arith.index_cast %scan3A_67 : i32 to index
      %swap3A_111 = arith.constant 96 : index
      %swap3A_112 = tpu.vector_load %arg7[%swap3A_110, %swap3A_111] {strides = array<i32>} : memref<128x128xf32, #tpu.memory_space<vmem>>, vector<1x16xf32>,
      %swap3A_113 = vector.shape_cast %swap3A_112 : vector<1x16xf32> to vector<16xf32>
      %swap3A_114 = vector.shape_cast %broadcast_in_dim3A_109 : vector<16xf32> to vector<1x16xf32>
      tpu.vector_store %arg7[%swap3A_110, %swap3A_111], %swap3A_114 {strides = array<i32>} : memref<128x128xf32, #tpu.memory_space<vmem>>, vector<1x16xf32>,
      %broadcast_in_dim3A_115 = arith.constant 0.000000e+00 : f32
      %broadcast_in_dim3A_116 = vector.broadcast %broadcast_in_dim3A_115 : f32 to vector<16xf32>
      %swap3A_117 = arith.index_cast %scan3A_67 : i32 to index
      %swap3A_118 = arith.constant 112 : index
      %swap3A_119 = tpu.vector_load %arg7[%swap3A_117, %swap3A_118] {strides = array<i32>} : memref<128x128xf32, #tpu.memory_space<vmem>>, vector<1x16xf32>,
      %swap3A_120 = vector.shape_cast %swap3A_119 : vector<1x16xf32> to vector<16xf32>
      %swap3A_121 = vector.shape_cast %broadcast_in_dim3A_116 : vector<16xf32> to vector<1x16xf32>
      tpu.vector_store %arg7[%swap3A_117, %swap3A_118], %swap3A_121 {strides = array<i32>} : memref<128x128xf32, #tpu.memory_space<vmem>>, vector<1x16xf32>,
    }
    %scan3A_20 = arith.constant 128 : i32
    %mul3A_21 = arith.constant 625 : i32
    %mul3A_22 = arith.muli %arg1, %mul3A_21 : i32
    %add3A_23 = arith.constant 0 : i32
    %add3A_24 = arith.addi %mul3A_22, %add3A_23 : i32
    "tpu.region"() ({
      %run_scoped3A = tpu.sem_alloc : memref<!tpu.dma_semaphore, #tpu.memory_space<semaphore_mem>>
      %dma_start3A_67 = arith.constant 0 : i32
      %dma_start3A_68 = arith.constant 0 : i32
      %dma_start3A_69 = tpu.memref_slice %arg7[%dma_start3A_67, %dma_start3A_68] : memref<128x128xf32, #tpu.memory_space<vmem>> -> memref<125x128xf32, #tpu.memory_space<vmem>>
      %dma_start3A_70 = arith.constant 0 : i32
      %dma_start3A_71 = tpu.memref_slice %arg9[%add3A_24, %dma_start3A_70] : memref<10000x128xf32, #tpu.memory_space<vmem_shared>> -> memref<125x128xf32, #tpu.memory_space<vmem_shared>>
      %dma_start3A_72 = arith.constant 0 : i32
      %dma_start3A_73 = tpu.memref_slice %arg9[%add3A_24, %dma_start3A_72] : memref<10000x128xf32, #tpu.memory_space<vmem_shared>> -> memref<125x128xf32, #tpu.memory_space<vmem_shared>>
      %dma_start3A_74 = arith.constant 0 : i32
      %dma_start3A_75 = arith.constant 0 : i32
      %dma_start3A_76 = tpu.memref_slice %arg7[%dma_start3A_74, %dma_start3A_75] : memref<128x128xf32, #tpu.memory_space<vmem>> -> memref<125x128xf32, #tpu.memory_space<vmem>>
      tpu.enqueue_dma source(%dma_start3A_76 : memref<125x128xf32, #tpu.memory_space<vmem>>) target(%dma_start3A_73 : memref<125x128xf32, #tpu.memory_space<vmem_shared>>) target_semaphore(%run_scoped3A : memref<!tpu.dma_semaphore, #tpu.memory_space<semaphore_mem>>)
      %dma_wait3A_77 = arith.constant 0 : i32
      %dma_wait3A_78 = arith.constant 0 : i32
      %dma_wait3A_79 = tpu.memref_slice %arg7[%dma_wait3A_77, %dma_wait3A_78] : memref<128x128xf32, #tpu.memory_space<vmem>> -> memref<125x128xf32, #tpu.memory_space<vmem>>
      %dma_wait3A_80 = arith.constant 0 : i32
      %dma_wait3A_81 = tpu.memref_slice %arg9[%add3A_24, %dma_wait3A_80] : memref<10000x128xf32, #tpu.memory_space<vmem_shared>> -> memref<125x128xf32, #tpu.memory_space<vmem_shared>>
      %dma_wait3A_82 = arith.constant 0 : i32
      %dma_wait3A_83 = tpu.memref_slice %arg9[%add3A_24, %dma_wait3A_82] : memref<10000x128xf32, #tpu.memory_space<vmem_shared>> -> memref<125x128xf32, #tpu.memory_space<vmem_shared>>
      %dma_wait3A_84 = arith.constant 0 : i32
      %dma_wait3A_85 = arith.constant 0 : i32
      %dma_wait3A_86 = tpu.memref_slice %arg7[%dma_wait3A_84, %dma_wait3A_85] : memref<128x128xf32, #tpu.memory_space<vmem>> -> memref<125x128xf32, #tpu.memory_space<vmem>>
      tpu.wait_dma2 semaphore(%run_scoped3A : memref<!tpu.dma_semaphore, #tpu.memory_space<semaphore_mem>>) src(%dma_wait3A_86 : memref<125x128xf32, #tpu.memory_space<vmem>>) dst(%dma_wait3A_83 : memref<125x128xf32, #tpu.memory_space<vmem_shared>>)
      tpu.yield
    }) : () -> ()
    %mul3A_25 = arith.constant 625 : i32
    %mul3A_26 = arith.muli %arg1, %mul3A_25 : i32
    %add3A_27 = arith.constant 125 : i32
    %add3A_28 = arith.addi %mul3A_26, %add3A_27 : i32
    "tpu.region"() ({
      %run_scoped3A = tpu.sem_alloc : memref<!tpu.dma_semaphore, #tpu.memory_space<semaphore_mem>>
      %dma_start3A_67 = arith.constant 0 : i32
      %dma_start3A_68 = arith.constant 0 : i32
      %dma_start3A_69 = tpu.memref_slice %arg7[%dma_start3A_67, %dma_start3A_68] : memref<128x128xf32, #tpu.memory_space<vmem>> -> memref<125x128xf32, #tpu.memory_space<vmem>>
      %dma_start3A_70 = arith.constant 0 : i32
      %dma_start3A_71 = tpu.memref_slice %arg9[%add3A_28, %dma_start3A_70] : memref<10000x128xf32, #tpu.memory_space<vmem_shared>> -> memref<125x128xf32, #tpu.memory_space<vmem_shared>>
      %dma_start3A_72 = arith.constant 0 : i32
      %dma_start3A_73 = tpu.memref_slice %arg9[%add3A_28, %dma_start3A_72] : memref<10000x128xf32, #tpu.memory_space<vmem_shared>> -> memref<125x128xf32, #tpu.memory_space<vmem_shared>>
      %dma_start3A_74 = arith.constant 0 : i32
      %dma_start3A_75 = arith.constant 0 : i32
      %dma_start3A_76 = tpu.memref_slice %arg7[%dma_start3A_74, %dma_start3A_75] : memref<128x128xf32, #tpu.memory_space<vmem>> -> memref<125x128xf32, #tpu.memory_space<vmem>>
      tpu.enqueue_dma source(%dma_start3A_76 : memref<125x128xf32, #tpu.memory_space<vmem>>) target(%dma_start3A_73 : memref<125x128xf32, #tpu.memory_space<vmem_shared>>) target_semaphore(%run_scoped3A : memref<!tpu.dma_semaphore, #tpu.memory_space<semaphore_mem>>)
      %dma_wait3A_77 = arith.constant 0 : i32
      %dma_wait3A_78 = arith.constant 0 : i32
      %dma_wait3A_79 = tpu.memref_slice %arg7[%dma_wait3A_77, %dma_wait3A_78] : memref<128x128xf32, #tpu.memory_space<vmem>> -> memref<125x128xf32, #tpu.memory_space<vmem>>
      %dma_wait3A_80 = arith.constant 0 : i32
      %dma_wait3A_81 = tpu.memref_slice %arg9[%add3A_28, %dma_wait3A_80] : memref<10000x128xf32, #tpu.memory_space<vmem_shared>> -> memref<125x128xf32, #tpu.memory_space<vmem_shared>>
      %dma_wait3A_82 = arith.constant 0 : i32
      %dma_wait3A_83 = tpu.memref_slice %arg9[%add3A_28, %dma_wait3A_82] : memref<10000x128xf32, #tpu.memory_space<vmem_shared>> -> memref<125x128xf32, #tpu.memory_space<vmem_shared>>
      %dma_wait3A_84 = arith.constant 0 : i32
      %dma_wait3A_85 = arith.constant 0 : i32
      %dma_wait3A_86 = tpu.memref_slice %arg7[%dma_wait3A_84, %dma_wait3A_85] : memref<128x128xf32, #tpu.memory_space<vmem>> -> memref<125x128xf32, #tpu.memory_space<vmem>>
      tpu.wait_dma2 semaphore(%run_scoped3A : memref<!tpu.dma_semaphore, #tpu.memory_space<semaphore_mem>>) src(%dma_wait3A_86 : memref<125x128xf32, #tpu.memory_space<vmem>>) dst(%dma_wait3A_83 : memref<125x128xf32, #tpu.memory_space<vmem_shared>>)
      tpu.yield
    }) : () -> ()
    %mul3A_29 = arith.constant 625 : i32
    %mul3A_30 = arith.muli %arg1, %mul3A_29 : i32
    %add3A_31 = arith.constant 250 : i32
    %add3A_32 = arith.addi %mul3A_30, %add3A_31 : i32
    "tpu.region"() ({
      %run_scoped3A = tpu.sem_alloc : memref<!tpu.dma_semaphore, #tpu.memory_space<semaphore_mem>>
      %dma_start3A_67 = arith.constant 0 : i32
      %dma_start3A_68 = arith.constant 0 : i32
      %dma_start3A_69 = tpu.memref_slice %arg7[%dma_start3A_67, %dma_start3A_68] : memref<128x128xf32, #tpu.memory_space<vmem>> -> memref<125x128xf32, #tpu.memory_space<vmem>>
      %dma_start3A_70 = arith.constant 0 : i32
      %dma_start3A_71 = tpu.memref_slice %arg9[%add3A_32, %dma_start3A_70] : memref<10000x128xf32, #tpu.memory_space<vmem_shared>> -> memref<125x128xf32, #tpu.memory_space<vmem_shared>>
      %dma_start3A_72 = arith.constant 0 : i32
      %dma_start3A_73 = tpu.memref_slice %arg9[%add3A_32, %dma_start3A_72] : memref<10000x128xf32, #tpu.memory_space<vmem_shared>> -> memref<125x128xf32, #tpu.memory_space<vmem_shared>>
      %dma_start3A_74 = arith.constant 0 : i32
      %dma_start3A_75 = arith.constant 0 : i32
      %dma_start3A_76 = tpu.memref_slice %arg7[%dma_start3A_74, %dma_start3A_75] : memref<128x128xf32, #tpu.memory_space<vmem>> -> memref<125x128xf32, #tpu.memory_space<vmem>>
      tpu.enqueue_dma source(%dma_start3A_76 : memref<125x128xf32, #tpu.memory_space<vmem>>) target(%dma_start3A_73 : memref<125x128xf32, #tpu.memory_space<vmem_shared>>) target_semaphore(%run_scoped3A : memref<!tpu.dma_semaphore, #tpu.memory_space<semaphore_mem>>)
      %dma_wait3A_77 = arith.constant 0 : i32
      %dma_wait3A_78 = arith.constant 0 : i32
      %dma_wait3A_79 = tpu.memref_slice %arg7[%dma_wait3A_77, %dma_wait3A_78] : memref<128x128xf32, #tpu.memory_space<vmem>> -> memref<125x128xf32, #tpu.memory_space<vmem>>
      %dma_wait3A_80 = arith.constant 0 : i32
      %dma_wait3A_81 = tpu.memref_slice %arg9[%add3A_32, %dma_wait3A_80] : memref<10000x128xf32, #tpu.memory_space<vmem_shared>> -> memref<125x128xf32, #tpu.memory_space<vmem_shared>>
      %dma_wait3A_82 = arith.constant 0 : i32
      %dma_wait3A_83 = tpu.memref_slice %arg9[%add3A_32, %dma_wait3A_82] : memref<10000x128xf32, #tpu.memory_space<vmem_shared>> -> memref<125x128xf32, #tpu.memory_space<vmem_shared>>
      %dma_wait3A_84 = arith.constant 0 : i32
      %dma_wait3A_85 = arith.constant 0 : i32
      %dma_wait3A_86 = tpu.memref_slice %arg7[%dma_wait3A_84, %dma_wait3A_85] : memref<128x128xf32, #tpu.memory_space<vmem>> -> memref<125x128xf32, #tpu.memory_space<vmem>>
      tpu.wait_dma2 semaphore(%run_scoped3A : memref<!tpu.dma_semaphore, #tpu.memory_space<semaphore_mem>>) src(%dma_wait3A_86 : memref<125x128xf32, #tpu.memory_space<vmem>>) dst(%dma_wait3A_83 : memref<125x128xf32, #tpu.memory_space<vmem_shared>>)
      tpu.yield
    }) : () -> ()
    %mul3A_33 = arith.constant 625 : i32
    %mul3A_34 = arith.muli %arg1, %mul3A_33 : i32
    %add3A_35 = arith.constant 375 : i32
    %add3A_36 = arith.addi %mul3A_34, %add3A_35 : i32
    "tpu.region"() ({
      %run_scoped3A = tpu.sem_alloc : memref<!tpu.dma_semaphore, #tpu.memory_space<semaphore_mem>>
      %dma_start3A_67 = arith.constant 0 : i32
      %dma_start3A_68 = arith.constant 0 : i32
      %dma_start3A_69 = tpu.memref_slice %arg7[%dma_start3A_67, %dma_start3A_68] : memref<128x128xf32, #tpu.memory_space<vmem>> -> memref<125x128xf32, #tpu.memory_space<vmem>>
      %dma_start3A_70 = arith.constant 0 : i32
      %dma_start3A_71 = tpu.memref_slice %arg9[%add3A_36, %dma_start3A_70] : memref<10000x128xf32, #tpu.memory_space<vmem_shared>> -> memref<125x128xf32, #tpu.memory_space<vmem_shared>>
      %dma_start3A_72 = arith.constant 0 : i32
      %dma_start3A_73 = tpu.memref_slice %arg9[%add3A_36, %dma_start3A_72] : memref<10000x128xf32, #tpu.memory_space<vmem_shared>> -> memref<125x128xf32, #tpu.memory_space<vmem_shared>>
      %dma_start3A_74 = arith.constant 0 : i32
      %dma_start3A_75 = arith.constant 0 : i32
      %dma_start3A_76 = tpu.memref_slice %arg7[%dma_start3A_74, %dma_start3A_75] : memref<128x128xf32, #tpu.memory_space<vmem>> -> memref<125x128xf32, #tpu.memory_space<vmem>>
      tpu.enqueue_dma source(%dma_start3A_76 : memref<125x128xf32, #tpu.memory_space<vmem>>) target(%dma_start3A_73 : memref<125x128xf32, #tpu.memory_space<vmem_shared>>) target_semaphore(%run_scoped3A : memref<!tpu.dma_semaphore, #tpu.memory_space<semaphore_mem>>)
      %dma_wait3A_77 = arith.constant 0 : i32
      %dma_wait3A_78 = arith.constant 0 : i32
      %dma_wait3A_79 = tpu.memref_slice %arg7[%dma_wait3A_77, %dma_wait3A_78] : memref<128x128xf32, #tpu.memory_space<vmem>> -> memref<125x128xf32, #tpu.memory_space<vmem>>
      %dma_wait3A_80 = arith.constant 0 : i32
      %dma_wait3A_81 = tpu.memref_slice %arg9[%add3A_36, %dma_wait3A_80] : memref<10000x128xf32, #tpu.memory_space<vmem_shared>> -> memref<125x128xf32, #tpu.memory_space<vmem_shared>>
      %dma_wait3A_82 = arith.constant 0 : i32
      %dma_wait3A_83 = tpu.memref_slice %arg9[%add3A_36, %dma_wait3A_82] : memref<10000x128xf32, #tpu.memory_space<vmem_shared>> -> memref<125x128xf32, #tpu.memory_space<vmem_shared>>
      %dma_wait3A_84 = arith.constant 0 : i32
      %dma_wait3A_85 = arith.constant 0 : i32
      %dma_wait3A_86 = tpu.memref_slice %arg7[%dma_wait3A_84, %dma_wait3A_85] : memref<128x128xf32, #tpu.memory_space<vmem>> -> memref<125x128xf32, #tpu.memory_space<vmem>>
      tpu.wait_dma2 semaphore(%run_scoped3A : memref<!tpu.dma_semaphore, #tpu.memory_space<semaphore_mem>>) src(%dma_wait3A_86 : memref<125x128xf32, #tpu.memory_space<vmem>>) dst(%dma_wait3A_83 : memref<125x128xf32, #tpu.memory_space<vmem_shared>>)
      tpu.yield
    }) : () -> ()
    %mul3A_37 = arith.constant 625 : i32
    %mul3A_38 = arith.muli %arg1, %mul3A_37 : i32
    %add3A_39 = arith.constant 500 : i32
    %add3A_40 = arith.addi %mul3A_38, %add3A_39 : i32
    "tpu.region"() ({
      %run_scoped3A = tpu.sem_alloc : memref<!tpu.dma_semaphore, #tpu.memory_space<semaphore_mem>>
      %dma_start3A_67 = arith.constant 0 : i32
      %dma_start3A_68 = arith.constant 0 : i32
      %dma_start3A_69 = tpu.memref_slice %arg7[%dma_start3A_67, %dma_start3A_68] : memref<128x128xf32, #tpu.memory_space<vmem>> -> memref<125x128xf32, #tpu.memory_space<vmem>>
      %dma_start3A_70 = arith.constant 0 : i32
      %dma_start3A_71 = tpu.memref_slice %arg9[%add3A_40, %dma_start3A_70] : memref<10000x128xf32, #tpu.memory_space<vmem_shared>> -> memref<125x128xf32, #tpu.memory_space<vmem_shared>>
      %dma_start3A_72 = arith.constant 0 : i32
      %dma_start3A_73 = tpu.memref_slice %arg9[%add3A_40, %dma_start3A_72] : memref<10000x128xf32, #tpu.memory_space<vmem_shared>> -> memref<125x128xf32, #tpu.memory_space<vmem_shared>>
      %dma_start3A_74 = arith.constant 0 : i32
      %dma_start3A_75 = arith.constant 0 : i32
      %dma_start3A_76 = tpu.memref_slice %arg7[%dma_start3A_74, %dma_start3A_75] : memref<128x128xf32, #tpu.memory_space<vmem>> -> memref<125x128xf32, #tpu.memory_space<vmem>>
      tpu.enqueue_dma source(%dma_start3A_76 : memref<125x128xf32, #tpu.memory_space<vmem>>) target(%dma_start3A_73 : memref<125x128xf32, #tpu.memory_space<vmem_shared>>) target_semaphore(%run_scoped3A : memref<!tpu.dma_semaphore, #tpu.memory_space<semaphore_mem>>)
      %dma_wait3A_77 = arith.constant 0 : i32
      %dma_wait3A_78 = arith.constant 0 : i32
      %dma_wait3A_79 = tpu.memref_slice %arg7[%dma_wait3A_77, %dma_wait3A_78] : memref<128x128xf32, #tpu.memory_space<vmem>> -> memref<125x128xf32, #tpu.memory_space<vmem>>
      %dma_wait3A_80 = arith.constant 0 : i32
      %dma_wait3A_81 = tpu.memref_slice %arg9[%add3A_40, %dma_wait3A_80] : memref<10000x128xf32, #tpu.memory_space<vmem_shared>> -> memref<125x128xf32, #tpu.memory_space<vmem_shared>>
      %dma_wait3A_82 = arith.constant 0 : i32
      %dma_wait3A_83 = tpu.memref_slice %arg9[%add3A_40, %dma_wait3A_82] : memref<10000x128xf32, #tpu.memory_space<vmem_shared>> -> memref<125x128xf32, #tpu.memory_space<vmem_shared>>
      %dma_wait3A_84 = arith.constant 0 : i32
      %dma_wait3A_85 = arith.constant 0 : i32
      %dma_wait3A_86 = tpu.memref_slice %arg7[%dma_wait3A_84, %dma_wait3A_85] : memref<128x128xf32, #tpu.memory_space<vmem>> -> memref<125x128xf32, #tpu.memory_space<vmem>>
      tpu.wait_dma2 semaphore(%run_scoped3A : memref<!tpu.dma_semaphore, #tpu.memory_space<semaphore_mem>>) src(%dma_wait3A_86 : memref<125x128xf32, #tpu.memory_space<vmem>>) dst(%dma_wait3A_83 : memref<125x128xf32, #tpu.memory_space<vmem_shared>>)
      tpu.yield
    }) : () -> ()
    %dma_wait3A = arith.constant 0 : i32
    %dma_wait3A_41 = arith.constant 0 : i32
    %dma_wait3A_42 = tpu.memref_slice %arg3[%dma_wait3A, %mul3A_2, %dma_wait3A_41] : memref<2x2500x128xi32, #tpu.memory_space<hbm>> -> memref<1x26x128xi32, #tpu.memory_space<hbm>>
    %dma_wait3A_43 = tpu.memref_squeeze %dma_wait3A_42 : memref<1x26x128xi32, #tpu.memory_space<hbm>> -> memref<26x128xi32, #tpu.memory_space<hbm>>
    %dma_wait3A_44 = arith.constant 0 : i32
    %dma_wait3A_45 = tpu.memref_slice %arg3[%dma_wait3A, %mul3A_2, %dma_wait3A_44] : memref<2x2500x128xi32, #tpu.memory_space<hbm>> -> memref<1x26x128xi32, #tpu.memory_space<hbm>>
    %dma_wait3A_46 = tpu.memref_squeeze %dma_wait3A_45 : memref<1x26x128xi32, #tpu.memory_space<hbm>> -> memref<26x128xi32, #tpu.memory_space<hbm>>
    tpu.wait_dma2 semaphore(%arg10 : memref<!tpu.dma_semaphore, #tpu.memory_space<semaphore_mem>>) src(%dma_wait3A_46 : memref<26x128xi32, #tpu.memory_space<hbm>>) dst(%arg5 : memref<26x128xi32, #tpu.memory_space<vmem>>)
    %dma_wait3A_47 = arith.constant 1 : i32
    %dma_wait3A_48 = arith.constant 0 : i32
    %dma_wait3A_49 = tpu.memref_slice %arg3[%dma_wait3A_47, %mul3A_2, %dma_wait3A_48] : memref<2x2500x128xi32, #tpu.memory_space<hbm>> -> memref<1x26x128xi32, #tpu.memory_space<hbm>>
    %dma_wait3A_50 = tpu.memref_squeeze %dma_wait3A_49 : memref<1x26x128xi32, #tpu.memory_space<hbm>> -> memref<26x128xi32, #tpu.memory_space<hbm>>
    %dma_wait3A_51 = arith.constant 0 : i32
    %dma_wait3A_52 = tpu.memref_slice %arg3[%dma_wait3A_47, %mul3A_2, %dma_wait3A_51] : memref<2x2500x128xi32, #tpu.memory_space<hbm>> -> memref<1x26x128xi32, #tpu.memory_space<hbm>>
    %dma_wait3A_53 = tpu.memref_squeeze %dma_wait3A_52 : memref<1x26x128xi32, #tpu.memory_space<hbm>> -> memref<26x128xi32, #tpu.memory_space<hbm>>
    tpu.wait_dma2 semaphore(%arg11 : memref<!tpu.dma_semaphore, #tpu.memory_space<semaphore_mem>>) src(%dma_wait3A_53 : memref<26x128xi32, #tpu.memory_space<hbm>>) dst(%arg6 : memref<26x128xi32, #tpu.memory_space<vmem>>)
    %barrier3A = arith.constant 0 : index
    tpu.barrier barrier_id(%barrier3A)
    %scan3A_54 = arith.constant 0 : i32
    %scan3A_55 = arith.constant 0 : i32
    %scan3A_56 = arith.constant 3 : i32
    %scan3A_57 = arith.addi %scan3A_55, %scan3A_56 : i32
    %scan3A_58 = arith.constant 1 : i32
    scf.for %scan3A_67 = %scan3A_55 to %scan3A_57 step %scan3A_58  : i32 {
      %mul3A_68 = arith.constant 26 : i32
      %mul3A_69 = arith.muli %scan3A_67, %mul3A_68 : i32
      %add3A_70 = arith.addi %mul3A_2, %mul3A_69 : i32
      %gt3A = arith.constant 0 : i32
      %gt3A_71 = arith.cmpi sgt, %scan3A_67, %gt3A : i32
      %convert_element_type3A_72 = arith.extui %gt3A_71 : i1 to i32
      %cond3A_73 = arith.constant 0 : i32
      %cond3A_74 = arith.cmpi ne, %convert_element_type3A_72, %cond3A_73 : i32
      scf.if %cond3A_74 {
        %run_scoped3A = arith.constant 0 : i32
        "tpu.region"() ({
          %run_scoped3A_96 = tpu.sem_alloc : memref<!tpu.dma_semaphore, #tpu.memory_space<semaphore_mem>>
          %dma_start3A_97 = arith.constant 0 : i32
          %dma_start3A_98 = tpu.memref_slice %arg3[%run_scoped3A, %add3A_70, %dma_start3A_97] : memref<2x2500x128xi32, #tpu.memory_space<hbm>> -> memref<1x26x128xi32, #tpu.memory_space<hbm>>
          %dma_start3A_99 = tpu.memref_squeeze %dma_start3A_98 : memref<1x26x128xi32, #tpu.memory_space<hbm>> -> memref<26x128xi32, #tpu.memory_space<hbm>>
          %dma_start3A_100 = arith.constant 0 : i32
          %dma_start3A_101 = tpu.memref_slice %arg3[%run_scoped3A, %add3A_70, %dma_start3A_100] : memref<2x2500x128xi32, #tpu.memory_space<hbm>> -> memref<1x26x128xi32, #tpu.memory_space<hbm>>
          %dma_start3A_102 = tpu.memref_squeeze %dma_start3A_101 : memref<1x26x128xi32, #tpu.memory_space<hbm>> -> memref<26x128xi32, #tpu.memory_space<hbm>>
          tpu.enqueue_dma source(%dma_start3A_102 : memref<26x128xi32, #tpu.memory_space<hbm>>) target(%arg5 : memref<26x128xi32, #tpu.memory_space<vmem>>) target_semaphore(%run_scoped3A_96 : memref<!tpu.dma_semaphore, #tpu.memory_space<semaphore_mem>>)
          %dma_wait3A_103 = arith.constant 0 : i32
          %dma_wait3A_104 = tpu.memref_slice %arg3[%run_scoped3A, %add3A_70, %dma_wait3A_103] : memref<2x2500x128xi32, #tpu.memory_space<hbm>> -> memref<1x26x128xi32, #tpu.memory_space<hbm>>
          %dma_wait3A_105 = tpu.memref_squeeze %dma_wait3A_104 : memref<1x26x128xi32, #tpu.memory_space<hbm>> -> memref<26x128xi32, #tpu.memory_space<hbm>>
          %dma_wait3A_106 = arith.constant 0 : i32
          %dma_wait3A_107 = tpu.memref_slice %arg3[%run_scoped3A, %add3A_70, %dma_wait3A_106] : memref<2x2500x128xi32, #tpu.memory_space<hbm>> -> memref<1x26x128xi32, #tpu.memory_space<hbm>>
          %dma_wait3A_108 = tpu.memref_squeeze %dma_wait3A_107 : memref<1x26x128xi32, #tpu.memory_space<hbm>> -> memref<26x128xi32, #tpu.memory_space<hbm>>
          tpu.wait_dma2 semaphore(%run_scoped3A_96 : memref<!tpu.dma_semaphore, #tpu.memory_space<semaphore_mem>>) src(%dma_wait3A_108 : memref<26x128xi32, #tpu.memory_space<hbm>>) dst(%arg5 : memref<26x128xi32, #tpu.memory_space<vmem>>)
          tpu.yield
        }) : () -> ()
        %run_scoped3A_95 = arith.constant 1 : i32
        "tpu.region"() ({
          %run_scoped3A_96 = tpu.sem_alloc : memref<!tpu.dma_semaphore, #tpu.memory_space<semaphore_mem>>
          %dma_start3A_97 = arith.constant 0 : i32
          %dma_start3A_98 = tpu.memref_slice %arg3[%run_scoped3A_95, %add3A_70, %dma_start3A_97] : memref<2x2500x128xi32, #tpu.memory_space<hbm>> -> memref<1x26x128xi32, #tpu.memory_space<hbm>>
          %dma_start3A_99 = tpu.memref_squeeze %dma_start3A_98 : memref<1x26x128xi32, #tpu.memory_space<hbm>> -> memref<26x128xi32, #tpu.memory_space<hbm>>
          %dma_start3A_100 = arith.constant 0 : i32
          %dma_start3A_101 = tpu.memref_slice %arg3[%run_scoped3A_95, %add3A_70, %dma_start3A_100] : memref<2x2500x128xi32, #tpu.memory_space<hbm>> -> memref<1x26x128xi32, #tpu.memory_space<hbm>>
          %dma_start3A_102 = tpu.memref_squeeze %dma_start3A_101 : memref<1x26x128xi32, #tpu.memory_space<hbm>> -> memref<26x128xi32, #tpu.memory_space<hbm>>
          tpu.enqueue_dma source(%dma_start3A_102 : memref<26x128xi32, #tpu.memory_space<hbm>>) target(%arg6 : memref<26x128xi32, #tpu.memory_space<vmem>>) target_semaphore(%run_scoped3A_96 : memref<!tpu.dma_semaphore, #tpu.memory_space<semaphore_mem>>)
          %dma_wait3A_103 = arith.constant 0 : i32
          %dma_wait3A_104 = tpu.memref_slice %arg3[%run_scoped3A_95, %add3A_70, %dma_wait3A_103] : memref<2x2500x128xi32, #tpu.memory_space<hbm>> -> memref<1x26x128xi32, #tpu.memory_space<hbm>>
          %dma_wait3A_105 = tpu.memref_squeeze %dma_wait3A_104 : memref<1x26x128xi32, #tpu.memory_space<hbm>> -> memref<26x128xi32, #tpu.memory_space<hbm>>
          %dma_wait3A_106 = arith.constant 0 : i32
          %dma_wait3A_107 = tpu.memref_slice %arg3[%run_scoped3A_95, %add3A_70, %dma_wait3A_106] : memref<2x2500x128xi32, #tpu.memory_space<hbm>> -> memref<1x26x128xi32, #tpu.memory_space<hbm>>
          %dma_wait3A_108 = tpu.memref_squeeze %dma_wait3A_107 : memref<1x26x128xi32, #tpu.memory_space<hbm>> -> memref<26x128xi32, #tpu.memory_space<hbm>>
          tpu.wait_dma2 semaphore(%run_scoped3A_96 : memref<!tpu.dma_semaphore, #tpu.memory_space<semaphore_mem>>) src(%dma_wait3A_108 : memref<26x128xi32, #tpu.memory_space<hbm>>) dst(%arg6 : memref<26x128xi32, #tpu.memory_space<vmem>>)
          tpu.yield
        }) : () -> ()
      } else {
      }
      %dma_start3A_75 = arith.constant 0 : i32
      %dma_start3A_76 = arith.constant 0 : i32
      %dma_start3A_77 = tpu.memref_slice %arg5[%dma_start3A_75, %dma_start3A_76] : memref<26x128xi32, #tpu.memory_space<vmem>> -> memref<1x128xi32, #tpu.memory_space<vmem>>
      %dma_start3A_78 = tpu.memref_squeeze %dma_start3A_77 : memref<1x128xi32, #tpu.memory_space<vmem>> -> memref<128xi32, #tpu.memory_space<vmem>>
      %dma_start3A_79 = arith.constant 0 : i32
      %dma_start3A_80 = arith.constant 0 : i32
      %dma_start3A_81 = tpu.memref_slice %arg2[%dma_start3A_79, %dma_start3A_80] : memref<10000x128xf32, #tpu.memory_space<hbm>> -> memref<10000x128xf32, #tpu.memory_space<hbm>>
      tpu.enqueue_indirect_dma source(%dma_start3A_81 : memref<10000x128xf32, #tpu.memory_space<hbm>>) target(%arg7 : memref<128x128xf32, #tpu.memory_space<vmem>>) offsets(%dma_start3A_78 : memref<128xi32, #tpu.memory_space<vmem>>) semaphore(%arg10 : memref<!tpu.dma_semaphore, #tpu.memory_space<semaphore_mem>>)
      %dma_start3A_82 = arith.constant 1 : i32
      %dma_start3A_83 = arith.constant 0 : i32
      %dma_start3A_84 = tpu.memref_slice %arg5[%dma_start3A_82, %dma_start3A_83] : memref<26x128xi32, #tpu.memory_space<vmem>> -> memref<1x128xi32, #tpu.memory_space<vmem>>
      %dma_start3A_85 = tpu.memref_squeeze %dma_start3A_84 : memref<1x128xi32, #tpu.memory_space<vmem>> -> memref<128xi32, #tpu.memory_space<vmem>>
      %dma_start3A_86 = arith.constant 0 : i32
      %dma_start3A_87 = arith.constant 0 : i32
      %dma_start3A_88 = tpu.memref_slice %arg2[%dma_start3A_86, %dma_start3A_87] : memref<10000x128xf32, #tpu.memory_space<hbm>> -> memref<10000x128xf32, #tpu.memory_space<hbm>>
      tpu.enqueue_indirect_dma source(%dma_start3A_88 : memref<10000x128xf32, #tpu.memory_space<hbm>>) target(%arg8 : memref<128x128xf32, #tpu.memory_space<vmem>>) offsets(%dma_start3A_85 : memref<128xi32, #tpu.memory_space<vmem>>) semaphore(%arg11 : memref<!tpu.dma_semaphore, #tpu.memory_space<semaphore_mem>>)
      %scan3A_89 = arith.constant 0 : i32
      %scan3A_90 = arith.constant 0 : i32
      %scan3A_91 = arith.constant 13 : i32
      %scan3A_92 = arith.addi %scan3A_90, %scan3A_91 : i32
      %scan3A_93 = arith.constant 1 : i32
      scf.for %scan3A_95 = %scan3A_90 to %scan3A_92 step %scan3A_93  : i32 {
        %mul3A_96 = arith.constant 2 : i32
        %mul3A_97 = arith.muli %scan3A_95, %mul3A_96 : i32
        %add3A_98 = arith.constant 0 : i32
        %add3A_99 = arith.addi %mul3A_97, %add3A_98 : i32
        %dma_wait3A_100 = arith.constant 0 : i32
        %dma_wait3A_101 = tpu.memref_slice %arg5[%add3A_99, %dma_wait3A_100] : memref<26x128xi32, #tpu.memory_space<vmem>> -> memref<1x128xi32, #tpu.memory_space<vmem>>
        %dma_wait3A_102 = tpu.memref_squeeze %dma_wait3A_101 : memref<1x128xi32, #tpu.memory_space<vmem>> -> memref<128xi32, #tpu.memory_space<vmem>>
        %dma_wait3A_103 = arith.constant 0 : i32
        %dma_wait3A_104 = arith.constant 0 : i32
        %dma_wait3A_105 = tpu.memref_slice %arg2[%dma_wait3A_103, %dma_wait3A_104] : memref<10000x128xf32, #tpu.memory_space<hbm>> -> memref<10000x128xf32, #tpu.memory_space<hbm>>
        tpu.wait_indirect_dma semaphore(%arg10 : memref<!tpu.dma_semaphore, #tpu.memory_space<semaphore_mem>>) src(%dma_wait3A_105 : memref<10000x128xf32, #tpu.memory_space<hbm>>) dst(%arg7 : memref<128x128xf32, #tpu.memory_space<vmem>>)
        "tpu.region"() ({
          %run_scoped3A = tpu.sem_alloc : memref<!tpu.dma_semaphore, #tpu.memory_space<semaphore_mem>>
          %dma_start3A_130 = arith.constant 0 : i32
          %dma_start3A_131 = tpu.memref_slice %arg6[%add3A_99, %dma_start3A_130] : memref<26x128xi32, #tpu.memory_space<vmem>> -> memref<1x128xi32, #tpu.memory_space<vmem>>
          %dma_start3A_132 = tpu.memref_squeeze %dma_start3A_131 : memref<1x128xi32, #tpu.memory_space<vmem>> -> memref<128xi32, #tpu.memory_space<vmem>>
          %dma_start3A_133 = arith.constant 0 : i32
          %dma_start3A_134 = arith.constant 0 : i32
          %dma_start3A_135 = tpu.memref_slice %arg9[%dma_start3A_133, %dma_start3A_134] : memref<10000x128xf32, #tpu.memory_space<vmem_shared>> -> memref<10000x128xf32, #tpu.memory_space<vmem_shared>>
          tpu.enqueue_indirect_dma source(%arg7 : memref<128x128xf32, #tpu.memory_space<vmem>>) target(%dma_start3A_135 : memref<10000x128xf32, #tpu.memory_space<vmem_shared>>) offsets(%dma_start3A_132 : memref<128xi32, #tpu.memory_space<vmem>>) semaphore(%run_scoped3A : memref<!tpu.dma_semaphore, #tpu.memory_space<semaphore_mem>>) {add = true}
          %dma_wait3A_136 = arith.constant 0 : i32
          %dma_wait3A_137 = tpu.memref_slice %arg6[%add3A_99, %dma_wait3A_136] : memref<26x128xi32, #tpu.memory_space<vmem>> -> memref<1x128xi32, #tpu.memory_space<vmem>>
          %dma_wait3A_138 = tpu.memref_squeeze %dma_wait3A_137 : memref<1x128xi32, #tpu.memory_space<vmem>> -> memref<128xi32, #tpu.memory_space<vmem>>
          %dma_wait3A_139 = arith.constant 0 : i32
          %dma_wait3A_140 = arith.constant 0 : i32
          %dma_wait3A_141 = tpu.memref_slice %arg9[%dma_wait3A_139, %dma_wait3A_140] : memref<10000x128xf32, #tpu.memory_space<vmem_shared>> -> memref<10000x128xf32, #tpu.memory_space<vmem_shared>>
          tpu.wait_indirect_dma semaphore(%run_scoped3A : memref<!tpu.dma_semaphore, #tpu.memory_space<semaphore_mem>>) src(%arg7 : memref<128x128xf32, #tpu.memory_space<vmem>>) dst(%dma_wait3A_141 : memref<10000x128xf32, #tpu.memory_space<vmem_shared>>)
          tpu.yield
        }) : () -> ()
        %add3A_106 = arith.constant 2 : i32
        %add3A_107 = arith.addi %add3A_99, %add3A_106 : i32
        %lt3A_108 = arith.constant 26 : i32
        %lt3A_109 = arith.cmpi slt, %add3A_107, %lt3A_108 : i32
        %convert_element_type3A_110 = arith.extui %lt3A_109 : i1 to i32
        %cond3A_111 = arith.constant 0 : i32
        %cond3A_112 = arith.cmpi ne, %convert_element_type3A_110, %cond3A_111 : i32
        scf.if %cond3A_112 {
          %add3A_130 = arith.constant 2 : i32
          %add3A_131 = arith.addi %add3A_99, %add3A_130 : i32
          %dma_start3A_132 = arith.constant 0 : i32
          %dma_start3A_133 = tpu.memref_slice %arg5[%add3A_131, %dma_start3A_132] : memref<26x128xi32, #tpu.memory_space<vmem>> -> memref<1x128xi32, #tpu.memory_space<vmem>>
          %dma_start3A_134 = tpu.memref_squeeze %dma_start3A_133 : memref<1x128xi32, #tpu.memory_space<vmem>> -> memref<128xi32, #tpu.memory_space<vmem>>
          %dma_start3A_135 = arith.constant 0 : i32
          %dma_start3A_136 = arith.constant 0 : i32
          %dma_start3A_137 = tpu.memref_slice %arg2[%dma_start3A_135, %dma_start3A_136] : memref<10000x128xf32, #tpu.memory_space<hbm>> -> memref<10000x128xf32, #tpu.memory_space<hbm>>
          tpu.enqueue_indirect_dma source(%dma_start3A_137 : memref<10000x128xf32, #tpu.memory_space<hbm>>) target(%arg7 : memref<128x128xf32, #tpu.memory_space<vmem>>) offsets(%dma_start3A_134 : memref<128xi32, #tpu.memory_space<vmem>>) semaphore(%arg10 : memref<!tpu.dma_semaphore, #tpu.memory_space<semaphore_mem>>)
        } else {
        }
        %mul3A_113 = arith.constant 2 : i32
        %mul3A_114 = arith.muli %scan3A_95, %mul3A_113 : i32
        %add3A_115 = arith.constant 1 : i32
        %add3A_116 = arith.addi %mul3A_114, %add3A_115 : i32
        %dma_wait3A_117 = arith.constant 0 : i32
        %dma_wait3A_118 = tpu.memref_slice %arg5[%add3A_116, %dma_wait3A_117] : memref<26x128xi32, #tpu.memory_space<vmem>> -> memref<1x128xi32, #tpu.memory_space<vmem>>
        %dma_wait3A_119 = tpu.memref_squeeze %dma_wait3A_118 : memref<1x128xi32, #tpu.memory_space<vmem>> -> memref<128xi32, #tpu.memory_space<vmem>>
        %dma_wait3A_120 = arith.constant 0 : i32
        %dma_wait3A_121 = arith.constant 0 : i32
        %dma_wait3A_122 = tpu.memref_slice %arg2[%dma_wait3A_120, %dma_wait3A_121] : memref<10000x128xf32, #tpu.memory_space<hbm>> -> memref<10000x128xf32, #tpu.memory_space<hbm>>
        tpu.wait_indirect_dma semaphore(%arg11 : memref<!tpu.dma_semaphore, #tpu.memory_space<semaphore_mem>>) src(%dma_wait3A_122 : memref<10000x128xf32, #tpu.memory_space<hbm>>) dst(%arg8 : memref<128x128xf32, #tpu.memory_space<vmem>>)
        "tpu.region"() ({
          %run_scoped3A = tpu.sem_alloc : memref<!tpu.dma_semaphore, #tpu.memory_space<semaphore_mem>>
          %dma_start3A_130 = arith.constant 0 : i32
          %dma_start3A_131 = tpu.memref_slice %arg6[%add3A_116, %dma_start3A_130] : memref<26x128xi32, #tpu.memory_space<vmem>> -> memref<1x128xi32, #tpu.memory_space<vmem>>
          %dma_start3A_132 = tpu.memref_squeeze %dma_start3A_131 : memref<1x128xi32, #tpu.memory_space<vmem>> -> memref<128xi32, #tpu.memory_space<vmem>>
          %dma_start3A_133 = arith.constant 0 : i32
          %dma_start3A_134 = arith.constant 0 : i32
          %dma_start3A_135 = tpu.memref_slice %arg9[%dma_start3A_133, %dma_start3A_134] : memref<10000x128xf32, #tpu.memory_space<vmem_shared>> -> memref<10000x128xf32, #tpu.memory_space<vmem_shared>>
          tpu.enqueue_indirect_dma source(%arg8 : memref<128x128xf32, #tpu.memory_space<vmem>>) target(%dma_start3A_135 : memref<10000x128xf32, #tpu.memory_space<vmem_shared>>) offsets(%dma_start3A_132 : memref<128xi32, #tpu.memory_space<vmem>>) semaphore(%run_scoped3A : memref<!tpu.dma_semaphore, #tpu.memory_space<semaphore_mem>>) {add = true}
          %dma_wait3A_136 = arith.constant 0 : i32
          %dma_wait3A_137 = tpu.memref_slice %arg6[%add3A_116, %dma_wait3A_136] : memref<26x128xi32, #tpu.memory_space<vmem>> -> memref<1x128xi32, #tpu.memory_space<vmem>>
          %dma_wait3A_138 = tpu.memref_squeeze %dma_wait3A_137 : memref<1x128xi32, #tpu.memory_space<vmem>> -> memref<128xi32, #tpu.memory_space<vmem>>
          %dma_wait3A_139 = arith.constant 0 : i32
          %dma_wait3A_140 = arith.constant 0 : i32
          %dma_wait3A_141 = tpu.memref_slice %arg9[%dma_wait3A_139, %dma_wait3A_140] : memref<10000x128xf32, #tpu.memory_space<vmem_shared>> -> memref<10000x128xf32, #tpu.memory_space<vmem_shared>>
          tpu.wait_indirect_dma semaphore(%run_scoped3A : memref<!tpu.dma_semaphore, #tpu.memory_space<semaphore_mem>>) src(%arg8 : memref<128x128xf32, #tpu.memory_space<vmem>>) dst(%dma_wait3A_141 : memref<10000x128xf32, #tpu.memory_space<vmem_shared>>)
          tpu.yield
        }) : () -> ()
        %add3A_123 = arith.constant 2 : i32
        %add3A_124 = arith.addi %add3A_116, %add3A_123 : i32
        %lt3A_125 = arith.constant 26 : i32
        %lt3A_126 = arith.cmpi slt, %add3A_124, %lt3A_125 : i32
        %convert_element_type3A_127 = arith.extui %lt3A_126 : i1 to i32
        %cond3A_128 = arith.constant 0 : i32
        %cond3A_129 = arith.cmpi ne, %convert_element_type3A_127, %cond3A_128 : i32
        scf.if %cond3A_129 {
          %add3A_130 = arith.constant 2 : i32
          %add3A_131 = arith.addi %add3A_116, %add3A_130 : i32
          %dma_start3A_132 = arith.constant 0 : i32
          %dma_start3A_133 = tpu.memref_slice %arg5[%add3A_131, %dma_start3A_132] : memref<26x128xi32, #tpu.memory_space<vmem>> -> memref<1x128xi32, #tpu.memory_space<vmem>>
          %dma_start3A_134 = tpu.memref_squeeze %dma_start3A_133 : memref<1x128xi32, #tpu.memory_space<vmem>> -> memref<128xi32, #tpu.memory_space<vmem>>
          %dma_start3A_135 = arith.constant 0 : i32
          %dma_start3A_136 = arith.constant 0 : i32
          %dma_start3A_137 = tpu.memref_slice %arg2[%dma_start3A_135, %dma_start3A_136] : memref<10000x128xf32, #tpu.memory_space<hbm>> -> memref<10000x128xf32, #tpu.memory_space<hbm>>
          tpu.enqueue_indirect_dma source(%dma_start3A_137 : memref<10000x128xf32, #tpu.memory_space<hbm>>) target(%arg8 : memref<128x128xf32, #tpu.memory_space<vmem>>) offsets(%dma_start3A_134 : memref<128xi32, #tpu.memory_space<vmem>>) semaphore(%arg11 : memref<!tpu.dma_semaphore, #tpu.memory_space<semaphore_mem>>)
        } else {
        }
      }
      %scan3A_94 = arith.constant 13 : i32
    }
    %scan3A_59 = arith.constant 3 : i32
    %lt3A = arith.constant 4 : i32
    %lt3A_60 = arith.cmpi slt, %add3A, %lt3A : i32
    %convert_element_type3A = arith.extui %lt3A_60 : i1 to i32
    %cond3A = arith.constant 0 : i32
    %cond3A_61 = arith.cmpi ne, %convert_element_type3A, %cond3A : i32
    scf.if %cond3A_61 {
      %add3A_67 = arith.constant 2496 : i32
      %add3A_68 = arith.addi %add3A_67, %add3A : i32
      %run_scoped3A = arith.constant 0 : i32
      "tpu.region"() ({
        %run_scoped3A_85 = tpu.sem_alloc : memref<!tpu.dma_semaphore, #tpu.memory_space<semaphore_mem>>
        %dma_start3A_86 = arith.constant 0 : i32
        %dma_start3A_87 = arith.constant 0 : i32
        %dma_start3A_88 = tpu.memref_slice %arg5[%dma_start3A_86, %dma_start3A_87] : memref<26x128xi32, #tpu.memory_space<vmem>> -> memref<1x128xi32, #tpu.memory_space<vmem>>
        %dma_start3A_89 = arith.constant 0 : i32
        %dma_start3A_90 = tpu.memref_slice %arg3[%run_scoped3A, %add3A_68, %dma_start3A_89] : memref<2x2500x128xi32, #tpu.memory_space<hbm>> -> memref<1x1x128xi32, #tpu.memory_space<hbm>>
        %dma_start3A_91 = tpu.memref_squeeze %dma_start3A_90 : memref<1x1x128xi32, #tpu.memory_space<hbm>> -> memref<1x128xi32, #tpu.memory_space<hbm>>
        %dma_start3A_92 = arith.constant 0 : i32
        %dma_start3A_93 = arith.constant 0 : i32
        %dma_start3A_94 = tpu.memref_slice %arg5[%dma_start3A_92, %dma_start3A_93] : memref<26x128xi32, #tpu.memory_space<vmem>> -> memref<1x128xi32, #tpu.memory_space<vmem>>
        %dma_start3A_95 = arith.constant 0 : i32
        %dma_start3A_96 = tpu.memref_slice %arg3[%run_scoped3A, %add3A_68, %dma_start3A_95] : memref<2x2500x128xi32, #tpu.memory_space<hbm>> -> memref<1x1x128xi32, #tpu.memory_space<hbm>>
        %dma_start3A_97 = tpu.memref_squeeze %dma_start3A_96 : memref<1x1x128xi32, #tpu.memory_space<hbm>> -> memref<1x128xi32, #tpu.memory_space<hbm>>
        tpu.enqueue_dma source(%dma_start3A_97 : memref<1x128xi32, #tpu.memory_space<hbm>>) target(%dma_start3A_94 : memref<1x128xi32, #tpu.memory_space<vmem>>) target_semaphore(%run_scoped3A_85 : memref<!tpu.dma_semaphore, #tpu.memory_space<semaphore_mem>>)
        %dma_wait3A_98 = arith.constant 0 : i32
        %dma_wait3A_99 = arith.constant 0 : i32
        %dma_wait3A_100 = tpu.memref_slice %arg5[%dma_wait3A_98, %dma_wait3A_99] : memref<26x128xi32, #tpu.memory_space<vmem>> -> memref<1x128xi32, #tpu.memory_space<vmem>>
        %dma_wait3A_101 = arith.constant 0 : i32
        %dma_wait3A_102 = tpu.memref_slice %arg3[%run_scoped3A, %add3A_68, %dma_wait3A_101] : memref<2x2500x128xi32, #tpu.memory_space<hbm>> -> memref<1x1x128xi32, #tpu.memory_space<hbm>>
        %dma_wait3A_103 = tpu.memref_squeeze %dma_wait3A_102 : memref<1x1x128xi32, #tpu.memory_space<hbm>> -> memref<1x128xi32, #tpu.memory_space<hbm>>
        %dma_wait3A_104 = arith.constant 0 : i32
        %dma_wait3A_105 = arith.constant 0 : i32
        %dma_wait3A_106 = tpu.memref_slice %arg5[%dma_wait3A_104, %dma_wait3A_105] : memref<26x128xi32, #tpu.memory_space<vmem>> -> memref<1x128xi32, #tpu.memory_space<vmem>>
        %dma_wait3A_107 = arith.constant 0 : i32
        %dma_wait3A_108 = tpu.memref_slice %arg3[%run_scoped3A, %add3A_68, %dma_wait3A_107] : memref<2x2500x128xi32, #tpu.memory_space<hbm>> -> memref<1x1x128xi32, #tpu.memory_space<hbm>>
        %dma_wait3A_109 = tpu.memref_squeeze %dma_wait3A_108 : memref<1x1x128xi32, #tpu.memory_space<hbm>> -> memref<1x128xi32, #tpu.memory_space<hbm>>
        tpu.wait_dma2 semaphore(%run_scoped3A_85 : memref<!tpu.dma_semaphore, #tpu.memory_space<semaphore_mem>>) src(%dma_wait3A_109 : memref<1x128xi32, #tpu.memory_space<hbm>>) dst(%dma_wait3A_106 : memref<1x128xi32, #tpu.memory_space<vmem>>)
        tpu.yield
      }) : () -> ()
      %run_scoped3A_69 = arith.constant 1 : i32
      "tpu.region"() ({
        %run_scoped3A_85 = tpu.sem_alloc : memref<!tpu.dma_semaphore, #tpu.memory_space<semaphore_mem>>
        %dma_start3A_86 = arith.constant 0 : i32
        %dma_start3A_87 = arith.constant 0 : i32
        %dma_start3A_88 = tpu.memref_slice %arg6[%dma_start3A_86, %dma_start3A_87] : memref<26x128xi32, #tpu.memory_space<vmem>> -> memref<1x128xi32, #tpu.memory_space<vmem>>
        %dma_start3A_89 = arith.constant 0 : i32
        %dma_start3A_90 = tpu.memref_slice %arg3[%run_scoped3A_69, %add3A_68, %dma_start3A_89] : memref<2x2500x128xi32, #tpu.memory_space<hbm>> -> memref<1x1x128xi32, #tpu.memory_space<hbm>>
        %dma_start3A_91 = tpu.memref_squeeze %dma_start3A_90 : memref<1x1x128xi32, #tpu.memory_space<hbm>> -> memref<1x128xi32, #tpu.memory_space<hbm>>
        %dma_start3A_92 = arith.constant 0 : i32
        %dma_start3A_93 = arith.constant 0 : i32
        %dma_start3A_94 = tpu.memref_slice %arg6[%dma_start3A_92, %dma_start3A_93] : memref<26x128xi32, #tpu.memory_space<vmem>> -> memref<1x128xi32, #tpu.memory_space<vmem>>
        %dma_start3A_95 = arith.constant 0 : i32
        %dma_start3A_96 = tpu.memref_slice %arg3[%run_scoped3A_69, %add3A_68, %dma_start3A_95] : memref<2x2500x128xi32, #tpu.memory_space<hbm>> -> memref<1x1x128xi32, #tpu.memory_space<hbm>>
        %dma_start3A_97 = tpu.memref_squeeze %dma_start3A_96 : memref<1x1x128xi32, #tpu.memory_space<hbm>> -> memref<1x128xi32, #tpu.memory_space<hbm>>
        tpu.enqueue_dma source(%dma_start3A_97 : memref<1x128xi32, #tpu.memory_space<hbm>>) target(%dma_start3A_94 : memref<1x128xi32, #tpu.memory_space<vmem>>) target_semaphore(%run_scoped3A_85 : memref<!tpu.dma_semaphore, #tpu.memory_space<semaphore_mem>>)
        %dma_wait3A_98 = arith.constant 0 : i32
        %dma_wait3A_99 = arith.constant 0 : i32
        %dma_wait3A_100 = tpu.memref_slice %arg6[%dma_wait3A_98, %dma_wait3A_99] : memref<26x128xi32, #tpu.memory_space<vmem>> -> memref<1x128xi32, #tpu.memory_space<vmem>>
        %dma_wait3A_101 = arith.constant 0 : i32
        %dma_wait3A_102 = tpu.memref_slice %arg3[%run_scoped3A_69, %add3A_68, %dma_wait3A_101] : memref<2x2500x128xi32, #tpu.memory_space<hbm>> -> memref<1x1x128xi32, #tpu.memory_space<hbm>>
        %dma_wait3A_103 = tpu.memref_squeeze %dma_wait3A_102 : memref<1x1x128xi32, #tpu.memory_space<hbm>> -> memref<1x128xi32, #tpu.memory_space<hbm>>
        %dma_wait3A_104 = arith.constant 0 : i32
        %dma_wait3A_105 = arith.constant 0 : i32
        %dma_wait3A_106 = tpu.memref_slice %arg6[%dma_wait3A_104, %dma_wait3A_105] : memref<26x128xi32, #tpu.memory_space<vmem>> -> memref<1x128xi32, #tpu.memory_space<vmem>>
        %dma_wait3A_107 = arith.constant 0 : i32
        %dma_wait3A_108 = tpu.memref_slice %arg3[%run_scoped3A_69, %add3A_68, %dma_wait3A_107] : memref<2x2500x128xi32, #tpu.memory_space<hbm>> -> memref<1x1x128xi32, #tpu.memory_space<hbm>>
        %dma_wait3A_109 = tpu.memref_squeeze %dma_wait3A_108 : memref<1x1x128xi32, #tpu.memory_space<hbm>> -> memref<1x128xi32, #tpu.memory_space<hbm>>
        tpu.wait_dma2 semaphore(%run_scoped3A_85 : memref<!tpu.dma_semaphore, #tpu.memory_space<semaphore_mem>>) src(%dma_wait3A_109 : memref<1x128xi32, #tpu.memory_space<hbm>>) dst(%dma_wait3A_106 : memref<1x128xi32, #tpu.memory_space<vmem>>)
        tpu.yield
      }) : () -> ()
      %dma_start3A_70 = arith.constant 0 : i32
      %dma_start3A_71 = arith.constant 0 : i32
      %dma_start3A_72 = tpu.memref_slice %arg5[%dma_start3A_70, %dma_start3A_71] : memref<26x128xi32, #tpu.memory_space<vmem>> -> memref<1x128xi32, #tpu.memory_space<vmem>>
      %dma_start3A_73 = tpu.memref_squeeze %dma_start3A_72 : memref<1x128xi32, #tpu.memory_space<vmem>> -> memref<128xi32, #tpu.memory_space<vmem>>
      %dma_start3A_74 = arith.constant 0 : i32
      %dma_start3A_75 = arith.constant 0 : i32
      %dma_start3A_76 = tpu.memref_slice %arg2[%dma_start3A_74, %dma_start3A_75] : memref<10000x128xf32, #tpu.memory_space<hbm>> -> memref<10000x128xf32, #tpu.memory_space<hbm>>
      tpu.enqueue_indirect_dma source(%dma_start3A_76 : memref<10000x128xf32, #tpu.memory_space<hbm>>) target(%arg7 : memref<128x128xf32, #tpu.memory_space<vmem>>) offsets(%dma_start3A_73 : memref<128xi32, #tpu.memory_space<vmem>>) semaphore(%arg10 : memref<!tpu.dma_semaphore, #tpu.memory_space<semaphore_mem>>)
      %dma_wait3A_77 = arith.constant 0 : i32
      %dma_wait3A_78 = arith.constant 0 : i32
      %dma_wait3A_79 = tpu.memref_slice %arg5[%dma_wait3A_77, %dma_wait3A_78] : memref<26x128xi32, #tpu.memory_space<vmem>> -> memref<1x128xi32, #tpu.memory_space<vmem>>
      %dma_wait3A_80 = tpu.memref_squeeze %dma_wait3A_79 : memref<1x128xi32, #tpu.memory_space<vmem>> -> memref<128xi32, #tpu.memory_space<vmem>>
      %dma_wait3A_81 = arith.constant 0 : i32
      %dma_wait3A_82 = arith.constant 0 : i32
      %dma_wait3A_83 = tpu.memref_slice %arg2[%dma_wait3A_81, %dma_wait3A_82] : memref<10000x128xf32, #tpu.memory_space<hbm>> -> memref<10000x128xf32, #tpu.memory_space<hbm>>
      tpu.wait_indirect_dma semaphore(%arg10 : memref<!tpu.dma_semaphore, #tpu.memory_space<semaphore_mem>>) src(%dma_wait3A_83 : memref<10000x128xf32, #tpu.memory_space<hbm>>) dst(%arg7 : memref<128x128xf32, #tpu.memory_space<vmem>>)
      %run_scoped3A_84 = arith.constant 0 : i32
      "tpu.region"() ({
        %run_scoped3A_85 = tpu.sem_alloc : memref<!tpu.dma_semaphore, #tpu.memory_space<semaphore_mem>>
        %dma_start3A_86 = arith.constant 0 : i32
        %dma_start3A_87 = tpu.memref_slice %arg6[%run_scoped3A_84, %dma_start3A_86] : memref<26x128xi32, #tpu.memory_space<vmem>> -> memref<1x128xi32, #tpu.memory_space<vmem>>
        %dma_start3A_88 = tpu.memref_squeeze %dma_start3A_87 : memref<1x128xi32, #tpu.memory_space<vmem>> -> memref<128xi32, #tpu.memory_space<vmem>>
        %dma_start3A_89 = arith.constant 0 : i32
        %dma_start3A_90 = arith.constant 0 : i32
        %dma_start3A_91 = tpu.memref_slice %arg9[%dma_start3A_89, %dma_start3A_90] : memref<10000x128xf32, #tpu.memory_space<vmem_shared>> -> memref<10000x128xf32, #tpu.memory_space<vmem_shared>>
        tpu.enqueue_indirect_dma source(%arg7 : memref<128x128xf32, #tpu.memory_space<vmem>>) target(%dma_start3A_91 : memref<10000x128xf32, #tpu.memory_space<vmem_shared>>) offsets(%dma_start3A_88 : memref<128xi32, #tpu.memory_space<vmem>>) semaphore(%run_scoped3A_85 : memref<!tpu.dma_semaphore, #tpu.memory_space<semaphore_mem>>) {add = true}
        %dma_wait3A_92 = arith.constant 0 : i32
        %dma_wait3A_93 = tpu.memref_slice %arg6[%run_scoped3A_84, %dma_wait3A_92] : memref<26x128xi32, #tpu.memory_space<vmem>> -> memref<1x128xi32, #tpu.memory_space<vmem>>
        %dma_wait3A_94 = tpu.memref_squeeze %dma_wait3A_93 : memref<1x128xi32, #tpu.memory_space<vmem>> -> memref<128xi32, #tpu.memory_space<vmem>>
        %dma_wait3A_95 = arith.constant 0 : i32
        %dma_wait3A_96 = arith.constant 0 : i32
        %dma_wait3A_97 = tpu.memref_slice %arg9[%dma_wait3A_95, %dma_wait3A_96] : memref<10000x128xf32, #tpu.memory_space<vmem_shared>> -> memref<10000x128xf32, #tpu.memory_space<vmem_shared>>
        tpu.wait_indirect_dma semaphore(%run_scoped3A_85 : memref<!tpu.dma_semaphore, #tpu.memory_space<semaphore_mem>>) src(%arg7 : memref<128x128xf32, #tpu.memory_space<vmem>>) dst(%dma_wait3A_97 : memref<10000x128xf32, #tpu.memory_space<vmem_shared>>)
        tpu.yield
      }) : () -> ()
    } else {
    }
    %barrier3A_62 = arith.constant 0 : index
    tpu.barrier barrier_id(%barrier3A_62)
    %mul3A_63 = arith.constant 625 : i32
    %mul3A_64 = arith.muli %arg1, %mul3A_63 : i32
    %mul3A_65 = arith.constant 625 : i32
    %mul3A_66 = arith.muli %arg1, %mul3A_65 : i32
    "tpu.region"() ({
      %run_scoped3A = tpu.sem_alloc : memref<!tpu.dma_semaphore, #tpu.memory_space<semaphore_mem>>
      %dma_start3A_67 = arith.constant 0 : i32
      %dma_start3A_68 = tpu.memref_slice %arg4[%arg0, %mul3A_66, %dma_start3A_67] : memref<2x10000x128xf32, #tpu.memory_space<hbm>> -> memref<1x625x128xf32, #tpu.memory_space<hbm>>
      %dma_start3A_69 = tpu.memref_squeeze %dma_start3A_68 : memref<1x625x128xf32, #tpu.memory_space<hbm>> -> memref<625x128xf32, #tpu.memory_space<hbm>>
      %dma_start3A_70 = arith.constant 0 : i32
      %dma_start3A_71 = tpu.memref_slice %arg9[%mul3A_64, %dma_start3A_70] : memref<10000x128xf32, #tpu.memory_space<vmem_shared>> -> memref<625x128xf32, #tpu.memory_space<vmem_shared>>
      tpu.enqueue_dma source(%dma_start3A_71 : memref<625x128xf32, #tpu.memory_space<vmem_shared>>) target(%dma_start3A_69 : memref<625x128xf32, #tpu.memory_space<hbm>>) target_semaphore(%run_scoped3A : memref<!tpu.dma_semaphore, #tpu.memory_space<semaphore_mem>>)
      %dma_wait3A_72 = arith.constant 0 : i32
      %dma_wait3A_73 = tpu.memref_slice %arg4[%arg0, %mul3A_66, %dma_wait3A_72] : memref<2x10000x128xf32, #tpu.memory_space<hbm>> -> memref<1x625x128xf32, #tpu.memory_space<hbm>>
      %dma_wait3A_74 = tpu.memref_squeeze %dma_wait3A_73 : memref<1x625x128xf32, #tpu.memory_space<hbm>> -> memref<625x128xf32, #tpu.memory_space<hbm>>
      %dma_wait3A_75 = arith.constant 0 : i32
      %dma_wait3A_76 = tpu.memref_slice %arg9[%mul3A_64, %dma_wait3A_75] : memref<10000x128xf32, #tpu.memory_space<vmem_shared>> -> memref<625x128xf32, #tpu.memory_space<vmem_shared>>
      tpu.wait_dma2 semaphore(%run_scoped3A : memref<!tpu.dma_semaphore, #tpu.memory_space<semaphore_mem>>) src(%dma_wait3A_76 : memref<625x128xf32, #tpu.memory_space<vmem_shared>>) dst(%dma_wait3A_74 : memref<625x128xf32, #tpu.memory_space<hbm>>)
      tpu.yield
    }) : () -> ()
    return
  }
}

#map = affine_map<(d0, d1) -> (0, 0)>
#map1 = affine_map<(d0, d1) -> (0, 0, 0)>
module attributes {stable_mosaic.version = 14 : i64} {
  func.func @_segsum_sc(%arg0: i32, %arg1: i32, %arg2: memref<10000x128xf32, #tpu.memory_space<hbm>>, %arg3: memref<2x2500x128xi32, #tpu.memory_space<hbm>>, %arg4: memref<2x10000x128xf32, #tpu.memory_space<hbm>>, %arg5: memref<26x128xi32, #tpu.memory_space<vmem>>, %arg6: memref<26x128xi32, #tpu.memory_space<vmem>>, %arg7: memref<128x128xf32, #tpu.memory_space<vmem>>, %arg8: memref<128x128xf32, #tpu.memory_space<vmem>>, %arg9: memref<10000x128xf32, #tpu.memory_space<vmem_shared>>, %arg10: memref<!tpu.dma_semaphore, #tpu.memory_space<semaphore_mem>>, %arg11: memref<!tpu.dma_semaphore, #tpu.memory_space<semaphore_mem>>) attributes {dimension_semantics = [#tpu.dimension_semantics<core_parallel>, #tpu.dimension_semantics<subcore_parallel>], iteration_bounds = array<i64: 2, 16>, scalar_prefetch = 0 : i64, scratch_operands = 7 : i64, tpu.core_type = #tpu.core_type<sc_vector_subcore>, window_params = [{transform_indices = #map}, {transform_indices = #map1}, {transform_indices = #map1}]} {
    %mul3A = arith.constant 16 : i32
    %mul3A_0 = arith.muli %arg0, %mul3A : i32
    %add3A = arith.addi %mul3A_0, %arg1 : i32
    %mul3A_1 = arith.constant 78 : i32
    %mul3A_2 = arith.muli %add3A, %mul3A_1 : i32
    %dma_start3A = arith.constant 0 : i32
    %dma_start3A_3 = arith.constant 0 : i32
    %dma_start3A_4 = tpu.memref_slice %arg3[%dma_start3A, %mul3A_2, %dma_start3A_3] : memref<2x2500x128xi32, #tpu.memory_space<hbm>> -> memref<1x26x128xi32, #tpu.memory_space<hbm>>
    %dma_start3A_5 = tpu.memref_squeeze %dma_start3A_4 : memref<1x26x128xi32, #tpu.memory_space<hbm>> -> memref<26x128xi32, #tpu.memory_space<hbm>>
    %dma_start3A_6 = arith.constant 0 : i32
    %dma_start3A_7 = tpu.memref_slice %arg3[%dma_start3A, %mul3A_2, %dma_start3A_6] : memref<2x2500x128xi32, #tpu.memory_space<hbm>> -> memref<1x26x128xi32, #tpu.memory_space<hbm>>
    %dma_start3A_8 = tpu.memref_squeeze %dma_start3A_7 : memref<1x26x128xi32, #tpu.memory_space<hbm>> -> memref<26x128xi32, #tpu.memory_space<hbm>>
    tpu.enqueue_dma source(%dma_start3A_8 : memref<26x128xi32, #tpu.memory_space<hbm>>) target(%arg5 : memref<26x128xi32, #tpu.memory_space<vmem>>) target_semaphore(%arg10 : memref<!tpu.dma_semaphore, #tpu.memory_space<semaphore_mem>>)
    %dma_start3A_9 = arith.constant 1 : i32
    %dma_start3A_10 = arith.constant 0 : i32
    %dma_start3A_11 = tpu.memref_slice %arg3[%dma_start3A_9, %mul3A_2, %dma_start3A_10] : memref<2x2500x128xi32, #tpu.memory_space<hbm>> -> memref<1x26x128xi32, #tpu.memory_space<hbm>>
    %dma_start3A_12 = tpu.memref_squeeze %dma_start3A_11 : memref<1x26x128xi32, #tpu.memory_space<hbm>> -> memref<26x128xi32, #tpu.memory_space<hbm>>
    %dma_start3A_13 = arith.constant 0 : i32
    %dma_start3A_14 = tpu.memref_slice %arg3[%dma_start3A_9, %mul3A_2, %dma_start3A_13] : memref<2x2500x128xi32, #tpu.memory_space<hbm>> -> memref<1x26x128xi32, #tpu.memory_space<hbm>>
    %dma_start3A_15 = tpu.memref_squeeze %dma_start3A_14 : memref<1x26x128xi32, #tpu.memory_space<hbm>> -> memref<26x128xi32, #tpu.memory_space<hbm>>
    tpu.enqueue_dma source(%dma_start3A_15 : memref<26x128xi32, #tpu.memory_space<hbm>>) target(%arg6 : memref<26x128xi32, #tpu.memory_space<vmem>>) target_semaphore(%arg11 : memref<!tpu.dma_semaphore, #tpu.memory_space<semaphore_mem>>)
    %scan3A = arith.constant 0 : i32
    %scan3A_16 = arith.constant 0 : i32
    %scan3A_17 = arith.constant 128 : i32
    %scan3A_18 = arith.addi %scan3A_16, %scan3A_17 : i32
    %scan3A_19 = arith.constant 1 : i32
    scf.for %scan3A_67 = %scan3A_16 to %scan3A_18 step %scan3A_19  : i32 {
      %broadcast_in_dim3A = arith.constant 0.000000e+00 : f32
      %broadcast_in_dim3A_68 = vector.broadcast %broadcast_in_dim3A : f32 to vector<16xf32>
      %swap3A = arith.index_cast %scan3A_67 : i32 to index
      %swap3A_69 = arith.constant 0 : index
      %swap3A_70 = tpu.vector_load %arg7[%swap3A, %swap3A_69] {strides = array<i32>} : memref<128x128xf32, #tpu.memory_space<vmem>>, vector<1x16xf32>,
      %swap3A_71 = vector.shape_cast %swap3A_70 : vector<1x16xf32> to vector<16xf32>
      %swap3A_72 = vector.shape_cast %broadcast_in_dim3A_68 : vector<16xf32> to vector<1x16xf32>
      tpu.vector_store %arg7[%swap3A, %swap3A_69], %swap3A_72 {strides = array<i32>} : memref<128x128xf32, #tpu.memory_space<vmem>>, vector<1x16xf32>,
      %broadcast_in_dim3A_73 = arith.constant 0.000000e+00 : f32
      %broadcast_in_dim3A_74 = vector.broadcast %broadcast_in_dim3A_73 : f32 to vector<16xf32>
      %swap3A_75 = arith.index_cast %scan3A_67 : i32 to index
      %swap3A_76 = arith.constant 16 : index
      %swap3A_77 = tpu.vector_load %arg7[%swap3A_75, %swap3A_76] {strides = array<i32>} : memref<128x128xf32, #tpu.memory_space<vmem>>, vector<1x16xf32>,
      %swap3A_78 = vector.shape_cast %swap3A_77 : vector<1x16xf32> to vector<16xf32>
      %swap3A_79 = vector.shape_cast %broadcast_in_dim3A_74 : vector<16xf32> to vector<1x16xf32>
      tpu.vector_store %arg7[%swap3A_75, %swap3A_76], %swap3A_79 {strides = array<i32>} : memref<128x128xf32, #tpu.memory_space<vmem>>, vector<1x16xf32>,
      %broadcast_in_dim3A_80 = arith.constant 0.000000e+00 : f32
      %broadcast_in_dim3A_81 = vector.broadcast %broadcast_in_dim3A_80 : f32 to vector<16xf32>
      %swap3A_82 = arith.index_cast %scan3A_67 : i32 to index
      %swap3A_83 = arith.constant 32 : index
      %swap3A_84 = tpu.vector_load %arg7[%swap3A_82, %swap3A_83] {strides = array<i32>} : memref<128x128xf32, #tpu.memory_space<vmem>>, vector<1x16xf32>,
      %swap3A_85 = vector.shape_cast %swap3A_84 : vector<1x16xf32> to vector<16xf32>
      %swap3A_86 = vector.shape_cast %broadcast_in_dim3A_81 : vector<16xf32> to vector<1x16xf32>
      tpu.vector_store %arg7[%swap3A_82, %swap3A_83], %swap3A_86 {strides = array<i32>} : memref<128x128xf32, #tpu.memory_space<vmem>>, vector<1x16xf32>,
      %broadcast_in_dim3A_87 = arith.constant 0.000000e+00 : f32
      %broadcast_in_dim3A_88 = vector.broadcast %broadcast_in_dim3A_87 : f32 to vector<16xf32>
      %swap3A_89 = arith.index_cast %scan3A_67 : i32 to index
      %swap3A_90 = arith.constant 48 : index
      %swap3A_91 = tpu.vector_load %arg7[%swap3A_89, %swap3A_90] {strides = array<i32>} : memref<128x128xf32, #tpu.memory_space<vmem>>, vector<1x16xf32>,
      %swap3A_92 = vector.shape_cast %swap3A_91 : vector<1x16xf32> to vector<16xf32>
      %swap3A_93 = vector.shape_cast %broadcast_in_dim3A_88 : vector<16xf32> to vector<1x16xf32>
      tpu.vector_store %arg7[%swap3A_89, %swap3A_90], %swap3A_93 {strides = array<i32>} : memref<128x128xf32, #tpu.memory_space<vmem>>, vector<1x16xf32>,
      %broadcast_in_dim3A_94 = arith.constant 0.000000e+00 : f32
      %broadcast_in_dim3A_95 = vector.broadcast %broadcast_in_dim3A_94 : f32 to vector<16xf32>
      %swap3A_96 = arith.index_cast %scan3A_67 : i32 to index
      %swap3A_97 = arith.constant 64 : index
      %swap3A_98 = tpu.vector_load %arg7[%swap3A_96, %swap3A_97] {strides = array<i32>} : memref<128x128xf32, #tpu.memory_space<vmem>>, vector<1x16xf32>,
      %swap3A_99 = vector.shape_cast %swap3A_98 : vector<1x16xf32> to vector<16xf32>
      %swap3A_100 = vector.shape_cast %broadcast_in_dim3A_95 : vector<16xf32> to vector<1x16xf32>
      tpu.vector_store %arg7[%swap3A_96, %swap3A_97], %swap3A_100 {strides = array<i32>} : memref<128x128xf32, #tpu.memory_space<vmem>>, vector<1x16xf32>,
      %broadcast_in_dim3A_101 = arith.constant 0.000000e+00 : f32
      %broadcast_in_dim3A_102 = vector.broadcast %broadcast_in_dim3A_101 : f32 to vector<16xf32>
      %swap3A_103 = arith.index_cast %scan3A_67 : i32 to index
      %swap3A_104 = arith.constant 80 : index
      %swap3A_105 = tpu.vector_load %arg7[%swap3A_103, %swap3A_104] {strides = array<i32>} : memref<128x128xf32, #tpu.memory_space<vmem>>, vector<1x16xf32>,
      %swap3A_106 = vector.shape_cast %swap3A_105 : vector<1x16xf32> to vector<16xf32>
      %swap3A_107 = vector.shape_cast %broadcast_in_dim3A_102 : vector<16xf32> to vector<1x16xf32>
      tpu.vector_store %arg7[%swap3A_103, %swap3A_104], %swap3A_107 {strides = array<i32>} : memref<128x128xf32, #tpu.memory_space<vmem>>, vector<1x16xf32>,
      %broadcast_in_dim3A_108 = arith.constant 0.000000e+00 : f32
      %broadcast_in_dim3A_109 = vector.broadcast %broadcast_in_dim3A_108 : f32 to vector<16xf32>
      %swap3A_110 = arith.index_cast %scan3A_67 : i32 to index
      %swap3A_111 = arith.constant 96 : index
      %swap3A_112 = tpu.vector_load %arg7[%swap3A_110, %swap3A_111] {strides = array<i32>} : memref<128x128xf32, #tpu.memory_space<vmem>>, vector<1x16xf32>,
      %swap3A_113 = vector.shape_cast %swap3A_112 : vector<1x16xf32> to vector<16xf32>
      %swap3A_114 = vector.shape_cast %broadcast_in_dim3A_109 : vector<16xf32> to vector<1x16xf32>
      tpu.vector_store %arg7[%swap3A_110, %swap3A_111], %swap3A_114 {strides = array<i32>} : memref<128x128xf32, #tpu.memory_space<vmem>>, vector<1x16xf32>,
      %broadcast_in_dim3A_115 = arith.constant 0.000000e+00 : f32
      %broadcast_in_dim3A_116 = vector.broadcast %broadcast_in_dim3A_115 : f32 to vector<16xf32>
      %swap3A_117 = arith.index_cast %scan3A_67 : i32 to index
      %swap3A_118 = arith.constant 112 : index
      %swap3A_119 = tpu.vector_load %arg7[%swap3A_117, %swap3A_118] {strides = array<i32>} : memref<128x128xf32, #tpu.memory_space<vmem>>, vector<1x16xf32>,
      %swap3A_120 = vector.shape_cast %swap3A_119 : vector<1x16xf32> to vector<16xf32>
      %swap3A_121 = vector.shape_cast %broadcast_in_dim3A_116 : vector<16xf32> to vector<1x16xf32>
      tpu.vector_store %arg7[%swap3A_117, %swap3A_118], %swap3A_121 {strides = array<i32>} : memref<128x128xf32, #tpu.memory_space<vmem>>, vector<1x16xf32>,
    }
    %scan3A_20 = arith.constant 128 : i32
    %mul3A_21 = arith.constant 625 : i32
    %mul3A_22 = arith.muli %arg1, %mul3A_21 : i32
    %add3A_23 = arith.constant 0 : i32
    %add3A_24 = arith.addi %mul3A_22, %add3A_23 : i32
    "tpu.region"() ({
      %run_scoped3A = tpu.sem_alloc : memref<!tpu.dma_semaphore, #tpu.memory_space<semaphore_mem>>
      %dma_start3A_67 = arith.constant 0 : i32
      %dma_start3A_68 = arith.constant 0 : i32
      %dma_start3A_69 = tpu.memref_slice %arg7[%dma_start3A_67, %dma_start3A_68] : memref<128x128xf32, #tpu.memory_space<vmem>> -> memref<125x128xf32, #tpu.memory_space<vmem>>
      %dma_start3A_70 = arith.constant 0 : i32
      %dma_start3A_71 = tpu.memref_slice %arg9[%add3A_24, %dma_start3A_70] : memref<10000x128xf32, #tpu.memory_space<vmem_shared>> -> memref<125x128xf32, #tpu.memory_space<vmem_shared>>
      %dma_start3A_72 = arith.constant 0 : i32
      %dma_start3A_73 = tpu.memref_slice %arg9[%add3A_24, %dma_start3A_72] : memref<10000x128xf32, #tpu.memory_space<vmem_shared>> -> memref<125x128xf32, #tpu.memory_space<vmem_shared>>
      %dma_start3A_74 = arith.constant 0 : i32
      %dma_start3A_75 = arith.constant 0 : i32
      %dma_start3A_76 = tpu.memref_slice %arg7[%dma_start3A_74, %dma_start3A_75] : memref<128x128xf32, #tpu.memory_space<vmem>> -> memref<125x128xf32, #tpu.memory_space<vmem>>
      tpu.enqueue_dma source(%dma_start3A_76 : memref<125x128xf32, #tpu.memory_space<vmem>>) target(%dma_start3A_73 : memref<125x128xf32, #tpu.memory_space<vmem_shared>>) target_semaphore(%run_scoped3A : memref<!tpu.dma_semaphore, #tpu.memory_space<semaphore_mem>>)
      %dma_wait3A_77 = arith.constant 0 : i32
      %dma_wait3A_78 = arith.constant 0 : i32
      %dma_wait3A_79 = tpu.memref_slice %arg7[%dma_wait3A_77, %dma_wait3A_78] : memref<128x128xf32, #tpu.memory_space<vmem>> -> memref<125x128xf32, #tpu.memory_space<vmem>>
      %dma_wait3A_80 = arith.constant 0 : i32
      %dma_wait3A_81 = tpu.memref_slice %arg9[%add3A_24, %dma_wait3A_80] : memref<10000x128xf32, #tpu.memory_space<vmem_shared>> -> memref<125x128xf32, #tpu.memory_space<vmem_shared>>
      %dma_wait3A_82 = arith.constant 0 : i32
      %dma_wait3A_83 = tpu.memref_slice %arg9[%add3A_24, %dma_wait3A_82] : memref<10000x128xf32, #tpu.memory_space<vmem_shared>> -> memref<125x128xf32, #tpu.memory_space<vmem_shared>>
      %dma_wait3A_84 = arith.constant 0 : i32
      %dma_wait3A_85 = arith.constant 0 : i32
      %dma_wait3A_86 = tpu.memref_slice %arg7[%dma_wait3A_84, %dma_wait3A_85] : memref<128x128xf32, #tpu.memory_space<vmem>> -> memref<125x128xf32, #tpu.memory_space<vmem>>
      tpu.wait_dma2 semaphore(%run_scoped3A : memref<!tpu.dma_semaphore, #tpu.memory_space<semaphore_mem>>) src(%dma_wait3A_86 : memref<125x128xf32, #tpu.memory_space<vmem>>) dst(%dma_wait3A_83 : memref<125x128xf32, #tpu.memory_space<vmem_shared>>)
      tpu.yield
    }) : () -> ()
    %mul3A_25 = arith.constant 625 : i32
    %mul3A_26 = arith.muli %arg1, %mul3A_25 : i32
    %add3A_27 = arith.constant 125 : i32
    %add3A_28 = arith.addi %mul3A_26, %add3A_27 : i32
    "tpu.region"() ({
      %run_scoped3A = tpu.sem_alloc : memref<!tpu.dma_semaphore, #tpu.memory_space<semaphore_mem>>
      %dma_start3A_67 = arith.constant 0 : i32
      %dma_start3A_68 = arith.constant 0 : i32
      %dma_start3A_69 = tpu.memref_slice %arg7[%dma_start3A_67, %dma_start3A_68] : memref<128x128xf32, #tpu.memory_space<vmem>> -> memref<125x128xf32, #tpu.memory_space<vmem>>
      %dma_start3A_70 = arith.constant 0 : i32
      %dma_start3A_71 = tpu.memref_slice %arg9[%add3A_28, %dma_start3A_70] : memref<10000x128xf32, #tpu.memory_space<vmem_shared>> -> memref<125x128xf32, #tpu.memory_space<vmem_shared>>
      %dma_start3A_72 = arith.constant 0 : i32
      %dma_start3A_73 = tpu.memref_slice %arg9[%add3A_28, %dma_start3A_72] : memref<10000x128xf32, #tpu.memory_space<vmem_shared>> -> memref<125x128xf32, #tpu.memory_space<vmem_shared>>
      %dma_start3A_74 = arith.constant 0 : i32
      %dma_start3A_75 = arith.constant 0 : i32
      %dma_start3A_76 = tpu.memref_slice %arg7[%dma_start3A_74, %dma_start3A_75] : memref<128x128xf32, #tpu.memory_space<vmem>> -> memref<125x128xf32, #tpu.memory_space<vmem>>
      tpu.enqueue_dma source(%dma_start3A_76 : memref<125x128xf32, #tpu.memory_space<vmem>>) target(%dma_start3A_73 : memref<125x128xf32, #tpu.memory_space<vmem_shared>>) target_semaphore(%run_scoped3A : memref<!tpu.dma_semaphore, #tpu.memory_space<semaphore_mem>>)
      %dma_wait3A_77 = arith.constant 0 : i32
      %dma_wait3A_78 = arith.constant 0 : i32
      %dma_wait3A_79 = tpu.memref_slice %arg7[%dma_wait3A_77, %dma_wait3A_78] : memref<128x128xf32, #tpu.memory_space<vmem>> -> memref<125x128xf32, #tpu.memory_space<vmem>>
      %dma_wait3A_80 = arith.constant 0 : i32
      %dma_wait3A_81 = tpu.memref_slice %arg9[%add3A_28, %dma_wait3A_80] : memref<10000x128xf32, #tpu.memory_space<vmem_shared>> -> memref<125x128xf32, #tpu.memory_space<vmem_shared>>
      %dma_wait3A_82 = arith.constant 0 : i32
      %dma_wait3A_83 = tpu.memref_slice %arg9[%add3A_28, %dma_wait3A_82] : memref<10000x128xf32, #tpu.memory_space<vmem_shared>> -> memref<125x128xf32, #tpu.memory_space<vmem_shared>>
      %dma_wait3A_84 = arith.constant 0 : i32
      %dma_wait3A_85 = arith.constant 0 : i32
      %dma_wait3A_86 = tpu.memref_slice %arg7[%dma_wait3A_84, %dma_wait3A_85] : memref<128x128xf32, #tpu.memory_space<vmem>> -> memref<125x128xf32, #tpu.memory_space<vmem>>
      tpu.wait_dma2 semaphore(%run_scoped3A : memref<!tpu.dma_semaphore, #tpu.memory_space<semaphore_mem>>) src(%dma_wait3A_86 : memref<125x128xf32, #tpu.memory_space<vmem>>) dst(%dma_wait3A_83 : memref<125x128xf32, #tpu.memory_space<vmem_shared>>)
      tpu.yield
    }) : () -> ()
    %mul3A_29 = arith.constant 625 : i32
    %mul3A_30 = arith.muli %arg1, %mul3A_29 : i32
    %add3A_31 = arith.constant 250 : i32
    %add3A_32 = arith.addi %mul3A_30, %add3A_31 : i32
    "tpu.region"() ({
      %run_scoped3A = tpu.sem_alloc : memref<!tpu.dma_semaphore, #tpu.memory_space<semaphore_mem>>
      %dma_start3A_67 = arith.constant 0 : i32
      %dma_start3A_68 = arith.constant 0 : i32
      %dma_start3A_69 = tpu.memref_slice %arg7[%dma_start3A_67, %dma_start3A_68] : memref<128x128xf32, #tpu.memory_space<vmem>> -> memref<125x128xf32, #tpu.memory_space<vmem>>
      %dma_start3A_70 = arith.constant 0 : i32
      %dma_start3A_71 = tpu.memref_slice %arg9[%add3A_32, %dma_start3A_70] : memref<10000x128xf32, #tpu.memory_space<vmem_shared>> -> memref<125x128xf32, #tpu.memory_space<vmem_shared>>
      %dma_start3A_72 = arith.constant 0 : i32
      %dma_start3A_73 = tpu.memref_slice %arg9[%add3A_32, %dma_start3A_72] : memref<10000x128xf32, #tpu.memory_space<vmem_shared>> -> memref<125x128xf32, #tpu.memory_space<vmem_shared>>
      %dma_start3A_74 = arith.constant 0 : i32
      %dma_start3A_75 = arith.constant 0 : i32
      %dma_start3A_76 = tpu.memref_slice %arg7[%dma_start3A_74, %dma_start3A_75] : memref<128x128xf32, #tpu.memory_space<vmem>> -> memref<125x128xf32, #tpu.memory_space<vmem>>
      tpu.enqueue_dma source(%dma_start3A_76 : memref<125x128xf32, #tpu.memory_space<vmem>>) target(%dma_start3A_73 : memref<125x128xf32, #tpu.memory_space<vmem_shared>>) target_semaphore(%run_scoped3A : memref<!tpu.dma_semaphore, #tpu.memory_space<semaphore_mem>>)
      %dma_wait3A_77 = arith.constant 0 : i32
      %dma_wait3A_78 = arith.constant 0 : i32
      %dma_wait3A_79 = tpu.memref_slice %arg7[%dma_wait3A_77, %dma_wait3A_78] : memref<128x128xf32, #tpu.memory_space<vmem>> -> memref<125x128xf32, #tpu.memory_space<vmem>>
      %dma_wait3A_80 = arith.constant 0 : i32
      %dma_wait3A_81 = tpu.memref_slice %arg9[%add3A_32, %dma_wait3A_80] : memref<10000x128xf32, #tpu.memory_space<vmem_shared>> -> memref<125x128xf32, #tpu.memory_space<vmem_shared>>
      %dma_wait3A_82 = arith.constant 0 : i32
      %dma_wait3A_83 = tpu.memref_slice %arg9[%add3A_32, %dma_wait3A_82] : memref<10000x128xf32, #tpu.memory_space<vmem_shared>> -> memref<125x128xf32, #tpu.memory_space<vmem_shared>>
      %dma_wait3A_84 = arith.constant 0 : i32
      %dma_wait3A_85 = arith.constant 0 : i32
      %dma_wait3A_86 = tpu.memref_slice %arg7[%dma_wait3A_84, %dma_wait3A_85] : memref<128x128xf32, #tpu.memory_space<vmem>> -> memref<125x128xf32, #tpu.memory_space<vmem>>
      tpu.wait_dma2 semaphore(%run_scoped3A : memref<!tpu.dma_semaphore, #tpu.memory_space<semaphore_mem>>) src(%dma_wait3A_86 : memref<125x128xf32, #tpu.memory_space<vmem>>) dst(%dma_wait3A_83 : memref<125x128xf32, #tpu.memory_space<vmem_shared>>)
      tpu.yield
    }) : () -> ()
    %mul3A_33 = arith.constant 625 : i32
    %mul3A_34 = arith.muli %arg1, %mul3A_33 : i32
    %add3A_35 = arith.constant 375 : i32
    %add3A_36 = arith.addi %mul3A_34, %add3A_35 : i32
    "tpu.region"() ({
      %run_scoped3A = tpu.sem_alloc : memref<!tpu.dma_semaphore, #tpu.memory_space<semaphore_mem>>
      %dma_start3A_67 = arith.constant 0 : i32
      %dma_start3A_68 = arith.constant 0 : i32
      %dma_start3A_69 = tpu.memref_slice %arg7[%dma_start3A_67, %dma_start3A_68] : memref<128x128xf32, #tpu.memory_space<vmem>> -> memref<125x128xf32, #tpu.memory_space<vmem>>
      %dma_start3A_70 = arith.constant 0 : i32
      %dma_start3A_71 = tpu.memref_slice %arg9[%add3A_36, %dma_start3A_70] : memref<10000x128xf32, #tpu.memory_space<vmem_shared>> -> memref<125x128xf32, #tpu.memory_space<vmem_shared>>
      %dma_start3A_72 = arith.constant 0 : i32
      %dma_start3A_73 = tpu.memref_slice %arg9[%add3A_36, %dma_start3A_72] : memref<10000x128xf32, #tpu.memory_space<vmem_shared>> -> memref<125x128xf32, #tpu.memory_space<vmem_shared>>
      %dma_start3A_74 = arith.constant 0 : i32
      %dma_start3A_75 = arith.constant 0 : i32
      %dma_start3A_76 = tpu.memref_slice %arg7[%dma_start3A_74, %dma_start3A_75] : memref<128x128xf32, #tpu.memory_space<vmem>> -> memref<125x128xf32, #tpu.memory_space<vmem>>
      tpu.enqueue_dma source(%dma_start3A_76 : memref<125x128xf32, #tpu.memory_space<vmem>>) target(%dma_start3A_73 : memref<125x128xf32, #tpu.memory_space<vmem_shared>>) target_semaphore(%run_scoped3A : memref<!tpu.dma_semaphore, #tpu.memory_space<semaphore_mem>>)
      %dma_wait3A_77 = arith.constant 0 : i32
      %dma_wait3A_78 = arith.constant 0 : i32
      %dma_wait3A_79 = tpu.memref_slice %arg7[%dma_wait3A_77, %dma_wait3A_78] : memref<128x128xf32, #tpu.memory_space<vmem>> -> memref<125x128xf32, #tpu.memory_space<vmem>>
      %dma_wait3A_80 = arith.constant 0 : i32
      %dma_wait3A_81 = tpu.memref_slice %arg9[%add3A_36, %dma_wait3A_80] : memref<10000x128xf32, #tpu.memory_space<vmem_shared>> -> memref<125x128xf32, #tpu.memory_space<vmem_shared>>
      %dma_wait3A_82 = arith.constant 0 : i32
      %dma_wait3A_83 = tpu.memref_slice %arg9[%add3A_36, %dma_wait3A_82] : memref<10000x128xf32, #tpu.memory_space<vmem_shared>> -> memref<125x128xf32, #tpu.memory_space<vmem_shared>>
      %dma_wait3A_84 = arith.constant 0 : i32
      %dma_wait3A_85 = arith.constant 0 : i32
      %dma_wait3A_86 = tpu.memref_slice %arg7[%dma_wait3A_84, %dma_wait3A_85] : memref<128x128xf32, #tpu.memory_space<vmem>> -> memref<125x128xf32, #tpu.memory_space<vmem>>
      tpu.wait_dma2 semaphore(%run_scoped3A : memref<!tpu.dma_semaphore, #tpu.memory_space<semaphore_mem>>) src(%dma_wait3A_86 : memref<125x128xf32, #tpu.memory_space<vmem>>) dst(%dma_wait3A_83 : memref<125x128xf32, #tpu.memory_space<vmem_shared>>)
      tpu.yield
    }) : () -> ()
    %mul3A_37 = arith.constant 625 : i32
    %mul3A_38 = arith.muli %arg1, %mul3A_37 : i32
    %add3A_39 = arith.constant 500 : i32
    %add3A_40 = arith.addi %mul3A_38, %add3A_39 : i32
    "tpu.region"() ({
      %run_scoped3A = tpu.sem_alloc : memref<!tpu.dma_semaphore, #tpu.memory_space<semaphore_mem>>
      %dma_start3A_67 = arith.constant 0 : i32
      %dma_start3A_68 = arith.constant 0 : i32
      %dma_start3A_69 = tpu.memref_slice %arg7[%dma_start3A_67, %dma_start3A_68] : memref<128x128xf32, #tpu.memory_space<vmem>> -> memref<125x128xf32, #tpu.memory_space<vmem>>
      %dma_start3A_70 = arith.constant 0 : i32
      %dma_start3A_71 = tpu.memref_slice %arg9[%add3A_40, %dma_start3A_70] : memref<10000x128xf32, #tpu.memory_space<vmem_shared>> -> memref<125x128xf32, #tpu.memory_space<vmem_shared>>
      %dma_start3A_72 = arith.constant 0 : i32
      %dma_start3A_73 = tpu.memref_slice %arg9[%add3A_40, %dma_start3A_72] : memref<10000x128xf32, #tpu.memory_space<vmem_shared>> -> memref<125x128xf32, #tpu.memory_space<vmem_shared>>
      %dma_start3A_74 = arith.constant 0 : i32
      %dma_start3A_75 = arith.constant 0 : i32
      %dma_start3A_76 = tpu.memref_slice %arg7[%dma_start3A_74, %dma_start3A_75] : memref<128x128xf32, #tpu.memory_space<vmem>> -> memref<125x128xf32, #tpu.memory_space<vmem>>
      tpu.enqueue_dma source(%dma_start3A_76 : memref<125x128xf32, #tpu.memory_space<vmem>>) target(%dma_start3A_73 : memref<125x128xf32, #tpu.memory_space<vmem_shared>>) target_semaphore(%run_scoped3A : memref<!tpu.dma_semaphore, #tpu.memory_space<semaphore_mem>>)
      %dma_wait3A_77 = arith.constant 0 : i32
      %dma_wait3A_78 = arith.constant 0 : i32
      %dma_wait3A_79 = tpu.memref_slice %arg7[%dma_wait3A_77, %dma_wait3A_78] : memref<128x128xf32, #tpu.memory_space<vmem>> -> memref<125x128xf32, #tpu.memory_space<vmem>>
      %dma_wait3A_80 = arith.constant 0 : i32
      %dma_wait3A_81 = tpu.memref_slice %arg9[%add3A_40, %dma_wait3A_80] : memref<10000x128xf32, #tpu.memory_space<vmem_shared>> -> memref<125x128xf32, #tpu.memory_space<vmem_shared>>
      %dma_wait3A_82 = arith.constant 0 : i32
      %dma_wait3A_83 = tpu.memref_slice %arg9[%add3A_40, %dma_wait3A_82] : memref<10000x128xf32, #tpu.memory_space<vmem_shared>> -> memref<125x128xf32, #tpu.memory_space<vmem_shared>>
      %dma_wait3A_84 = arith.constant 0 : i32
      %dma_wait3A_85 = arith.constant 0 : i32
      %dma_wait3A_86 = tpu.memref_slice %arg7[%dma_wait3A_84, %dma_wait3A_85] : memref<128x128xf32, #tpu.memory_space<vmem>> -> memref<125x128xf32, #tpu.memory_space<vmem>>
      tpu.wait_dma2 semaphore(%run_scoped3A : memref<!tpu.dma_semaphore, #tpu.memory_space<semaphore_mem>>) src(%dma_wait3A_86 : memref<125x128xf32, #tpu.memory_space<vmem>>) dst(%dma_wait3A_83 : memref<125x128xf32, #tpu.memory_space<vmem_shared>>)
      tpu.yield
    }) : () -> ()
    %dma_wait3A = arith.constant 0 : i32
    %dma_wait3A_41 = arith.constant 0 : i32
    %dma_wait3A_42 = tpu.memref_slice %arg3[%dma_wait3A, %mul3A_2, %dma_wait3A_41] : memref<2x2500x128xi32, #tpu.memory_space<hbm>> -> memref<1x26x128xi32, #tpu.memory_space<hbm>>
    %dma_wait3A_43 = tpu.memref_squeeze %dma_wait3A_42 : memref<1x26x128xi32, #tpu.memory_space<hbm>> -> memref<26x128xi32, #tpu.memory_space<hbm>>
    %dma_wait3A_44 = arith.constant 0 : i32
    %dma_wait3A_45 = tpu.memref_slice %arg3[%dma_wait3A, %mul3A_2, %dma_wait3A_44] : memref<2x2500x128xi32, #tpu.memory_space<hbm>> -> memref<1x26x128xi32, #tpu.memory_space<hbm>>
    %dma_wait3A_46 = tpu.memref_squeeze %dma_wait3A_45 : memref<1x26x128xi32, #tpu.memory_space<hbm>> -> memref<26x128xi32, #tpu.memory_space<hbm>>
    tpu.wait_dma2 semaphore(%arg10 : memref<!tpu.dma_semaphore, #tpu.memory_space<semaphore_mem>>) src(%dma_wait3A_46 : memref<26x128xi32, #tpu.memory_space<hbm>>) dst(%arg5 : memref<26x128xi32, #tpu.memory_space<vmem>>)
    %dma_wait3A_47 = arith.constant 1 : i32
    %dma_wait3A_48 = arith.constant 0 : i32
    %dma_wait3A_49 = tpu.memref_slice %arg3[%dma_wait3A_47, %mul3A_2, %dma_wait3A_48] : memref<2x2500x128xi32, #tpu.memory_space<hbm>> -> memref<1x26x128xi32, #tpu.memory_space<hbm>>
    %dma_wait3A_50 = tpu.memref_squeeze %dma_wait3A_49 : memref<1x26x128xi32, #tpu.memory_space<hbm>> -> memref<26x128xi32, #tpu.memory_space<hbm>>
    %dma_wait3A_51 = arith.constant 0 : i32
    %dma_wait3A_52 = tpu.memref_slice %arg3[%dma_wait3A_47, %mul3A_2, %dma_wait3A_51] : memref<2x2500x128xi32, #tpu.memory_space<hbm>> -> memref<1x26x128xi32, #tpu.memory_space<hbm>>
    %dma_wait3A_53 = tpu.memref_squeeze %dma_wait3A_52 : memref<1x26x128xi32, #tpu.memory_space<hbm>> -> memref<26x128xi32, #tpu.memory_space<hbm>>
    tpu.wait_dma2 semaphore(%arg11 : memref<!tpu.dma_semaphore, #tpu.memory_space<semaphore_mem>>) src(%dma_wait3A_53 : memref<26x128xi32, #tpu.memory_space<hbm>>) dst(%arg6 : memref<26x128xi32, #tpu.memory_space<vmem>>)
    %barrier3A = arith.constant 0 : index
    tpu.barrier barrier_id(%barrier3A)
    %scan3A_54 = arith.constant 0 : i32
    %scan3A_55 = arith.constant 0 : i32
    %scan3A_56 = arith.constant 3 : i32
    %scan3A_57 = arith.addi %scan3A_55, %scan3A_56 : i32
    %scan3A_58 = arith.constant 1 : i32
    scf.for %scan3A_67 = %scan3A_55 to %scan3A_57 step %scan3A_58  : i32 {
      %mul3A_68 = arith.constant 26 : i32
      %mul3A_69 = arith.muli %scan3A_67, %mul3A_68 : i32
      %add3A_70 = arith.addi %mul3A_2, %mul3A_69 : i32
      %gt3A = arith.constant 0 : i32
      %gt3A_71 = arith.cmpi sgt, %scan3A_67, %gt3A : i32
      %convert_element_type3A_72 = arith.extui %gt3A_71 : i1 to i32
      %cond3A_73 = arith.constant 0 : i32
      %cond3A_74 = arith.cmpi ne, %convert_element_type3A_72, %cond3A_73 : i32
      scf.if %cond3A_74 {
        %run_scoped3A = arith.constant 0 : i32
        "tpu.region"() ({
          %run_scoped3A_96 = tpu.sem_alloc : memref<!tpu.dma_semaphore, #tpu.memory_space<semaphore_mem>>
          %dma_start3A_97 = arith.constant 0 : i32
          %dma_start3A_98 = tpu.memref_slice %arg3[%run_scoped3A, %add3A_70, %dma_start3A_97] : memref<2x2500x128xi32, #tpu.memory_space<hbm>> -> memref<1x26x128xi32, #tpu.memory_space<hbm>>
          %dma_start3A_99 = tpu.memref_squeeze %dma_start3A_98 : memref<1x26x128xi32, #tpu.memory_space<hbm>> -> memref<26x128xi32, #tpu.memory_space<hbm>>
          %dma_start3A_100 = arith.constant 0 : i32
          %dma_start3A_101 = tpu.memref_slice %arg3[%run_scoped3A, %add3A_70, %dma_start3A_100] : memref<2x2500x128xi32, #tpu.memory_space<hbm>> -> memref<1x26x128xi32, #tpu.memory_space<hbm>>
          %dma_start3A_102 = tpu.memref_squeeze %dma_start3A_101 : memref<1x26x128xi32, #tpu.memory_space<hbm>> -> memref<26x128xi32, #tpu.memory_space<hbm>>
          tpu.enqueue_dma source(%dma_start3A_102 : memref<26x128xi32, #tpu.memory_space<hbm>>) target(%arg5 : memref<26x128xi32, #tpu.memory_space<vmem>>) target_semaphore(%run_scoped3A_96 : memref<!tpu.dma_semaphore, #tpu.memory_space<semaphore_mem>>)
          %dma_wait3A_103 = arith.constant 0 : i32
          %dma_wait3A_104 = tpu.memref_slice %arg3[%run_scoped3A, %add3A_70, %dma_wait3A_103] : memref<2x2500x128xi32, #tpu.memory_space<hbm>> -> memref<1x26x128xi32, #tpu.memory_space<hbm>>
          %dma_wait3A_105 = tpu.memref_squeeze %dma_wait3A_104 : memref<1x26x128xi32, #tpu.memory_space<hbm>> -> memref<26x128xi32, #tpu.memory_space<hbm>>
          %dma_wait3A_106 = arith.constant 0 : i32
          %dma_wait3A_107 = tpu.memref_slice %arg3[%run_scoped3A, %add3A_70, %dma_wait3A_106] : memref<2x2500x128xi32, #tpu.memory_space<hbm>> -> memref<1x26x128xi32, #tpu.memory_space<hbm>>
          %dma_wait3A_108 = tpu.memref_squeeze %dma_wait3A_107 : memref<1x26x128xi32, #tpu.memory_space<hbm>> -> memref<26x128xi32, #tpu.memory_space<hbm>>
          tpu.wait_dma2 semaphore(%run_scoped3A_96 : memref<!tpu.dma_semaphore, #tpu.memory_space<semaphore_mem>>) src(%dma_wait3A_108 : memref<26x128xi32, #tpu.memory_space<hbm>>) dst(%arg5 : memref<26x128xi32, #tpu.memory_space<vmem>>)
          tpu.yield
        }) : () -> ()
        %run_scoped3A_95 = arith.constant 1 : i32
        "tpu.region"() ({
          %run_scoped3A_96 = tpu.sem_alloc : memref<!tpu.dma_semaphore, #tpu.memory_space<semaphore_mem>>
          %dma_start3A_97 = arith.constant 0 : i32
          %dma_start3A_98 = tpu.memref_slice %arg3[%run_scoped3A_95, %add3A_70, %dma_start3A_97] : memref<2x2500x128xi32, #tpu.memory_space<hbm>> -> memref<1x26x128xi32, #tpu.memory_space<hbm>>
          %dma_start3A_99 = tpu.memref_squeeze %dma_start3A_98 : memref<1x26x128xi32, #tpu.memory_space<hbm>> -> memref<26x128xi32, #tpu.memory_space<hbm>>
          %dma_start3A_100 = arith.constant 0 : i32
          %dma_start3A_101 = tpu.memref_slice %arg3[%run_scoped3A_95, %add3A_70, %dma_start3A_100] : memref<2x2500x128xi32, #tpu.memory_space<hbm>> -> memref<1x26x128xi32, #tpu.memory_space<hbm>>
          %dma_start3A_102 = tpu.memref_squeeze %dma_start3A_101 : memref<1x26x128xi32, #tpu.memory_space<hbm>> -> memref<26x128xi32, #tpu.memory_space<hbm>>
          tpu.enqueue_dma source(%dma_start3A_102 : memref<26x128xi32, #tpu.memory_space<hbm>>) target(%arg6 : memref<26x128xi32, #tpu.memory_space<vmem>>) target_semaphore(%run_scoped3A_96 : memref<!tpu.dma_semaphore, #tpu.memory_space<semaphore_mem>>)
          %dma_wait3A_103 = arith.constant 0 : i32
          %dma_wait3A_104 = tpu.memref_slice %arg3[%run_scoped3A_95, %add3A_70, %dma_wait3A_103] : memref<2x2500x128xi32, #tpu.memory_space<hbm>> -> memref<1x26x128xi32, #tpu.memory_space<hbm>>
          %dma_wait3A_105 = tpu.memref_squeeze %dma_wait3A_104 : memref<1x26x128xi32, #tpu.memory_space<hbm>> -> memref<26x128xi32, #tpu.memory_space<hbm>>
          %dma_wait3A_106 = arith.constant 0 : i32
          %dma_wait3A_107 = tpu.memref_slice %arg3[%run_scoped3A_95, %add3A_70, %dma_wait3A_106] : memref<2x2500x128xi32, #tpu.memory_space<hbm>> -> memref<1x26x128xi32, #tpu.memory_space<hbm>>
          %dma_wait3A_108 = tpu.memref_squeeze %dma_wait3A_107 : memref<1x26x128xi32, #tpu.memory_space<hbm>> -> memref<26x128xi32, #tpu.memory_space<hbm>>
          tpu.wait_dma2 semaphore(%run_scoped3A_96 : memref<!tpu.dma_semaphore, #tpu.memory_space<semaphore_mem>>) src(%dma_wait3A_108 : memref<26x128xi32, #tpu.memory_space<hbm>>) dst(%arg6 : memref<26x128xi32, #tpu.memory_space<vmem>>)
          tpu.yield
        }) : () -> ()
      } else {
      }
      %dma_start3A_75 = arith.constant 0 : i32
      %dma_start3A_76 = arith.constant 0 : i32
      %dma_start3A_77 = tpu.memref_slice %arg5[%dma_start3A_75, %dma_start3A_76] : memref<26x128xi32, #tpu.memory_space<vmem>> -> memref<1x128xi32, #tpu.memory_space<vmem>>
      %dma_start3A_78 = tpu.memref_squeeze %dma_start3A_77 : memref<1x128xi32, #tpu.memory_space<vmem>> -> memref<128xi32, #tpu.memory_space<vmem>>
      %dma_start3A_79 = arith.constant 0 : i32
      %dma_start3A_80 = arith.constant 0 : i32
      %dma_start3A_81 = tpu.memref_slice %arg2[%dma_start3A_79, %dma_start3A_80] : memref<10000x128xf32, #tpu.memory_space<hbm>> -> memref<10000x128xf32, #tpu.memory_space<hbm>>
      tpu.enqueue_indirect_dma source(%dma_start3A_81 : memref<10000x128xf32, #tpu.memory_space<hbm>>) target(%arg7 : memref<128x128xf32, #tpu.memory_space<vmem>>) offsets(%dma_start3A_78 : memref<128xi32, #tpu.memory_space<vmem>>) semaphore(%arg10 : memref<!tpu.dma_semaphore, #tpu.memory_space<semaphore_mem>>)
      %dma_start3A_82 = arith.constant 1 : i32
      %dma_start3A_83 = arith.constant 0 : i32
      %dma_start3A_84 = tpu.memref_slice %arg5[%dma_start3A_82, %dma_start3A_83] : memref<26x128xi32, #tpu.memory_space<vmem>> -> memref<1x128xi32, #tpu.memory_space<vmem>>
      %dma_start3A_85 = tpu.memref_squeeze %dma_start3A_84 : memref<1x128xi32, #tpu.memory_space<vmem>> -> memref<128xi32, #tpu.memory_space<vmem>>
      %dma_start3A_86 = arith.constant 0 : i32
      %dma_start3A_87 = arith.constant 0 : i32
      %dma_start3A_88 = tpu.memref_slice %arg2[%dma_start3A_86, %dma_start3A_87] : memref<10000x128xf32, #tpu.memory_space<hbm>> -> memref<10000x128xf32, #tpu.memory_space<hbm>>
      tpu.enqueue_indirect_dma source(%dma_start3A_88 : memref<10000x128xf32, #tpu.memory_space<hbm>>) target(%arg8 : memref<128x128xf32, #tpu.memory_space<vmem>>) offsets(%dma_start3A_85 : memref<128xi32, #tpu.memory_space<vmem>>) semaphore(%arg11 : memref<!tpu.dma_semaphore, #tpu.memory_space<semaphore_mem>>)
      %scan3A_89 = arith.constant 0 : i32
      %scan3A_90 = arith.constant 0 : i32
      %scan3A_91 = arith.constant 13 : i32
      %scan3A_92 = arith.addi %scan3A_90, %scan3A_91 : i32
      %scan3A_93 = arith.constant 1 : i32
      scf.for %scan3A_95 = %scan3A_90 to %scan3A_92 step %scan3A_93  : i32 {
        %mul3A_96 = arith.constant 2 : i32
        %mul3A_97 = arith.muli %scan3A_95, %mul3A_96 : i32
        %add3A_98 = arith.constant 0 : i32
        %add3A_99 = arith.addi %mul3A_97, %add3A_98 : i32
        %dma_wait3A_100 = arith.constant 0 : i32
        %dma_wait3A_101 = tpu.memref_slice %arg5[%add3A_99, %dma_wait3A_100] : memref<26x128xi32, #tpu.memory_space<vmem>> -> memref<1x128xi32, #tpu.memory_space<vmem>>
        %dma_wait3A_102 = tpu.memref_squeeze %dma_wait3A_101 : memref<1x128xi32, #tpu.memory_space<vmem>> -> memref<128xi32, #tpu.memory_space<vmem>>
        %dma_wait3A_103 = arith.constant 0 : i32
        %dma_wait3A_104 = arith.constant 0 : i32
        %dma_wait3A_105 = tpu.memref_slice %arg2[%dma_wait3A_103, %dma_wait3A_104] : memref<10000x128xf32, #tpu.memory_space<hbm>> -> memref<10000x128xf32, #tpu.memory_space<hbm>>
        tpu.wait_indirect_dma semaphore(%arg10 : memref<!tpu.dma_semaphore, #tpu.memory_space<semaphore_mem>>) src(%dma_wait3A_105 : memref<10000x128xf32, #tpu.memory_space<hbm>>) dst(%arg7 : memref<128x128xf32, #tpu.memory_space<vmem>>)
        "tpu.region"() ({
          %run_scoped3A = tpu.sem_alloc : memref<!tpu.dma_semaphore, #tpu.memory_space<semaphore_mem>>
          %dma_start3A_130 = arith.constant 0 : i32
          %dma_start3A_131 = tpu.memref_slice %arg6[%add3A_99, %dma_start3A_130] : memref<26x128xi32, #tpu.memory_space<vmem>> -> memref<1x128xi32, #tpu.memory_space<vmem>>
          %dma_start3A_132 = tpu.memref_squeeze %dma_start3A_131 : memref<1x128xi32, #tpu.memory_space<vmem>> -> memref<128xi32, #tpu.memory_space<vmem>>
          %dma_start3A_133 = arith.constant 0 : i32
          %dma_start3A_134 = arith.constant 0 : i32
          %dma_start3A_135 = tpu.memref_slice %arg9[%dma_start3A_133, %dma_start3A_134] : memref<10000x128xf32, #tpu.memory_space<vmem_shared>> -> memref<10000x128xf32, #tpu.memory_space<vmem_shared>>
          tpu.enqueue_indirect_dma source(%arg7 : memref<128x128xf32, #tpu.memory_space<vmem>>) target(%dma_start3A_135 : memref<10000x128xf32, #tpu.memory_space<vmem_shared>>) offsets(%dma_start3A_132 : memref<128xi32, #tpu.memory_space<vmem>>) semaphore(%run_scoped3A : memref<!tpu.dma_semaphore, #tpu.memory_space<semaphore_mem>>) {add = true}
          %dma_wait3A_136 = arith.constant 0 : i32
          %dma_wait3A_137 = tpu.memref_slice %arg6[%add3A_99, %dma_wait3A_136] : memref<26x128xi32, #tpu.memory_space<vmem>> -> memref<1x128xi32, #tpu.memory_space<vmem>>
          %dma_wait3A_138 = tpu.memref_squeeze %dma_wait3A_137 : memref<1x128xi32, #tpu.memory_space<vmem>> -> memref<128xi32, #tpu.memory_space<vmem>>
          %dma_wait3A_139 = arith.constant 0 : i32
          %dma_wait3A_140 = arith.constant 0 : i32
          %dma_wait3A_141 = tpu.memref_slice %arg9[%dma_wait3A_139, %dma_wait3A_140] : memref<10000x128xf32, #tpu.memory_space<vmem_shared>> -> memref<10000x128xf32, #tpu.memory_space<vmem_shared>>
          tpu.wait_indirect_dma semaphore(%run_scoped3A : memref<!tpu.dma_semaphore, #tpu.memory_space<semaphore_mem>>) src(%arg7 : memref<128x128xf32, #tpu.memory_space<vmem>>) dst(%dma_wait3A_141 : memref<10000x128xf32, #tpu.memory_space<vmem_shared>>)
          tpu.yield
        }) : () -> ()
        %add3A_106 = arith.constant 2 : i32
        %add3A_107 = arith.addi %add3A_99, %add3A_106 : i32
        %lt3A_108 = arith.constant 26 : i32
        %lt3A_109 = arith.cmpi slt, %add3A_107, %lt3A_108 : i32
        %convert_element_type3A_110 = arith.extui %lt3A_109 : i1 to i32
        %cond3A_111 = arith.constant 0 : i32
        %cond3A_112 = arith.cmpi ne, %convert_element_type3A_110, %cond3A_111 : i32
        scf.if %cond3A_112 {
          %add3A_130 = arith.constant 2 : i32
          %add3A_131 = arith.addi %add3A_99, %add3A_130 : i32
          %dma_start3A_132 = arith.constant 0 : i32
          %dma_start3A_133 = tpu.memref_slice %arg5[%add3A_131, %dma_start3A_132] : memref<26x128xi32, #tpu.memory_space<vmem>> -> memref<1x128xi32, #tpu.memory_space<vmem>>
          %dma_start3A_134 = tpu.memref_squeeze %dma_start3A_133 : memref<1x128xi32, #tpu.memory_space<vmem>> -> memref<128xi32, #tpu.memory_space<vmem>>
          %dma_start3A_135 = arith.constant 0 : i32
          %dma_start3A_136 = arith.constant 0 : i32
          %dma_start3A_137 = tpu.memref_slice %arg2[%dma_start3A_135, %dma_start3A_136] : memref<10000x128xf32, #tpu.memory_space<hbm>> -> memref<10000x128xf32, #tpu.memory_space<hbm>>
          tpu.enqueue_indirect_dma source(%dma_start3A_137 : memref<10000x128xf32, #tpu.memory_space<hbm>>) target(%arg7 : memref<128x128xf32, #tpu.memory_space<vmem>>) offsets(%dma_start3A_134 : memref<128xi32, #tpu.memory_space<vmem>>) semaphore(%arg10 : memref<!tpu.dma_semaphore, #tpu.memory_space<semaphore_mem>>)
        } else {
        }
        %mul3A_113 = arith.constant 2 : i32
        %mul3A_114 = arith.muli %scan3A_95, %mul3A_113 : i32
        %add3A_115 = arith.constant 1 : i32
        %add3A_116 = arith.addi %mul3A_114, %add3A_115 : i32
        %dma_wait3A_117 = arith.constant 0 : i32
        %dma_wait3A_118 = tpu.memref_slice %arg5[%add3A_116, %dma_wait3A_117] : memref<26x128xi32, #tpu.memory_space<vmem>> -> memref<1x128xi32, #tpu.memory_space<vmem>>
        %dma_wait3A_119 = tpu.memref_squeeze %dma_wait3A_118 : memref<1x128xi32, #tpu.memory_space<vmem>> -> memref<128xi32, #tpu.memory_space<vmem>>
        %dma_wait3A_120 = arith.constant 0 : i32
        %dma_wait3A_121 = arith.constant 0 : i32
        %dma_wait3A_122 = tpu.memref_slice %arg2[%dma_wait3A_120, %dma_wait3A_121] : memref<10000x128xf32, #tpu.memory_space<hbm>> -> memref<10000x128xf32, #tpu.memory_space<hbm>>
        tpu.wait_indirect_dma semaphore(%arg11 : memref<!tpu.dma_semaphore, #tpu.memory_space<semaphore_mem>>) src(%dma_wait3A_122 : memref<10000x128xf32, #tpu.memory_space<hbm>>) dst(%arg8 : memref<128x128xf32, #tpu.memory_space<vmem>>)
        "tpu.region"() ({
          %run_scoped3A = tpu.sem_alloc : memref<!tpu.dma_semaphore, #tpu.memory_space<semaphore_mem>>
          %dma_start3A_130 = arith.constant 0 : i32
          %dma_start3A_131 = tpu.memref_slice %arg6[%add3A_116, %dma_start3A_130] : memref<26x128xi32, #tpu.memory_space<vmem>> -> memref<1x128xi32, #tpu.memory_space<vmem>>
          %dma_start3A_132 = tpu.memref_squeeze %dma_start3A_131 : memref<1x128xi32, #tpu.memory_space<vmem>> -> memref<128xi32, #tpu.memory_space<vmem>>
          %dma_start3A_133 = arith.constant 0 : i32
          %dma_start3A_134 = arith.constant 0 : i32
          %dma_start3A_135 = tpu.memref_slice %arg9[%dma_start3A_133, %dma_start3A_134] : memref<10000x128xf32, #tpu.memory_space<vmem_shared>> -> memref<10000x128xf32, #tpu.memory_space<vmem_shared>>
          tpu.enqueue_indirect_dma source(%arg8 : memref<128x128xf32, #tpu.memory_space<vmem>>) target(%dma_start3A_135 : memref<10000x128xf32, #tpu.memory_space<vmem_shared>>) offsets(%dma_start3A_132 : memref<128xi32, #tpu.memory_space<vmem>>) semaphore(%run_scoped3A : memref<!tpu.dma_semaphore, #tpu.memory_space<semaphore_mem>>) {add = true}
          %dma_wait3A_136 = arith.constant 0 : i32
          %dma_wait3A_137 = tpu.memref_slice %arg6[%add3A_116, %dma_wait3A_136] : memref<26x128xi32, #tpu.memory_space<vmem>> -> memref<1x128xi32, #tpu.memory_space<vmem>>
          %dma_wait3A_138 = tpu.memref_squeeze %dma_wait3A_137 : memref<1x128xi32, #tpu.memory_space<vmem>> -> memref<128xi32, #tpu.memory_space<vmem>>
          %dma_wait3A_139 = arith.constant 0 : i32
          %dma_wait3A_140 = arith.constant 0 : i32
          %dma_wait3A_141 = tpu.memref_slice %arg9[%dma_wait3A_139, %dma_wait3A_140] : memref<10000x128xf32, #tpu.memory_space<vmem_shared>> -> memref<10000x128xf32, #tpu.memory_space<vmem_shared>>
          tpu.wait_indirect_dma semaphore(%run_scoped3A : memref<!tpu.dma_semaphore, #tpu.memory_space<semaphore_mem>>) src(%arg8 : memref<128x128xf32, #tpu.memory_space<vmem>>) dst(%dma_wait3A_141 : memref<10000x128xf32, #tpu.memory_space<vmem_shared>>)
          tpu.yield
        }) : () -> ()
        %add3A_123 = arith.constant 2 : i32
        %add3A_124 = arith.addi %add3A_116, %add3A_123 : i32
        %lt3A_125 = arith.constant 26 : i32
        %lt3A_126 = arith.cmpi slt, %add3A_124, %lt3A_125 : i32
        %convert_element_type3A_127 = arith.extui %lt3A_126 : i1 to i32
        %cond3A_128 = arith.constant 0 : i32
        %cond3A_129 = arith.cmpi ne, %convert_element_type3A_127, %cond3A_128 : i32
        scf.if %cond3A_129 {
          %add3A_130 = arith.constant 2 : i32
          %add3A_131 = arith.addi %add3A_116, %add3A_130 : i32
          %dma_start3A_132 = arith.constant 0 : i32
          %dma_start3A_133 = tpu.memref_slice %arg5[%add3A_131, %dma_start3A_132] : memref<26x128xi32, #tpu.memory_space<vmem>> -> memref<1x128xi32, #tpu.memory_space<vmem>>
          %dma_start3A_134 = tpu.memref_squeeze %dma_start3A_133 : memref<1x128xi32, #tpu.memory_space<vmem>> -> memref<128xi32, #tpu.memory_space<vmem>>
          %dma_start3A_135 = arith.constant 0 : i32
          %dma_start3A_136 = arith.constant 0 : i32
          %dma_start3A_137 = tpu.memref_slice %arg2[%dma_start3A_135, %dma_start3A_136] : memref<10000x128xf32, #tpu.memory_space<hbm>> -> memref<10000x128xf32, #tpu.memory_space<hbm>>
          tpu.enqueue_indirect_dma source(%dma_start3A_137 : memref<10000x128xf32, #tpu.memory_space<hbm>>) target(%arg8 : memref<128x128xf32, #tpu.memory_space<vmem>>) offsets(%dma_start3A_134 : memref<128xi32, #tpu.memory_space<vmem>>) semaphore(%arg11 : memref<!tpu.dma_semaphore, #tpu.memory_space<semaphore_mem>>)
        } else {
        }
      }
      %scan3A_94 = arith.constant 13 : i32
    }
    %scan3A_59 = arith.constant 3 : i32
    %lt3A = arith.constant 4 : i32
    %lt3A_60 = arith.cmpi slt, %add3A, %lt3A : i32
    %convert_element_type3A = arith.extui %lt3A_60 : i1 to i32
    %cond3A = arith.constant 0 : i32
    %cond3A_61 = arith.cmpi ne, %convert_element_type3A, %cond3A : i32
    scf.if %cond3A_61 {
      %add3A_67 = arith.constant 2496 : i32
      %add3A_68 = arith.addi %add3A_67, %add3A : i32
      %run_scoped3A = arith.constant 0 : i32
      "tpu.region"() ({
        %run_scoped3A_85 = tpu.sem_alloc : memref<!tpu.dma_semaphore, #tpu.memory_space<semaphore_mem>>
        %dma_start3A_86 = arith.constant 0 : i32
        %dma_start3A_87 = arith.constant 0 : i32
        %dma_start3A_88 = tpu.memref_slice %arg5[%dma_start3A_86, %dma_start3A_87] : memref<26x128xi32, #tpu.memory_space<vmem>> -> memref<1x128xi32, #tpu.memory_space<vmem>>
        %dma_start3A_89 = arith.constant 0 : i32
        %dma_start3A_90 = tpu.memref_slice %arg3[%run_scoped3A, %add3A_68, %dma_start3A_89] : memref<2x2500x128xi32, #tpu.memory_space<hbm>> -> memref<1x1x128xi32, #tpu.memory_space<hbm>>
        %dma_start3A_91 = tpu.memref_squeeze %dma_start3A_90 : memref<1x1x128xi32, #tpu.memory_space<hbm>> -> memref<1x128xi32, #tpu.memory_space<hbm>>
        %dma_start3A_92 = arith.constant 0 : i32
        %dma_start3A_93 = arith.constant 0 : i32
        %dma_start3A_94 = tpu.memref_slice %arg5[%dma_start3A_92, %dma_start3A_93] : memref<26x128xi32, #tpu.memory_space<vmem>> -> memref<1x128xi32, #tpu.memory_space<vmem>>
        %dma_start3A_95 = arith.constant 0 : i32
        %dma_start3A_96 = tpu.memref_slice %arg3[%run_scoped3A, %add3A_68, %dma_start3A_95] : memref<2x2500x128xi32, #tpu.memory_space<hbm>> -> memref<1x1x128xi32, #tpu.memory_space<hbm>>
        %dma_start3A_97 = tpu.memref_squeeze %dma_start3A_96 : memref<1x1x128xi32, #tpu.memory_space<hbm>> -> memref<1x128xi32, #tpu.memory_space<hbm>>
        tpu.enqueue_dma source(%dma_start3A_97 : memref<1x128xi32, #tpu.memory_space<hbm>>) target(%dma_start3A_94 : memref<1x128xi32, #tpu.memory_space<vmem>>) target_semaphore(%run_scoped3A_85 : memref<!tpu.dma_semaphore, #tpu.memory_space<semaphore_mem>>)
        %dma_wait3A_98 = arith.constant 0 : i32
        %dma_wait3A_99 = arith.constant 0 : i32
        %dma_wait3A_100 = tpu.memref_slice %arg5[%dma_wait3A_98, %dma_wait3A_99] : memref<26x128xi32, #tpu.memory_space<vmem>> -> memref<1x128xi32, #tpu.memory_space<vmem>>
        %dma_wait3A_101 = arith.constant 0 : i32
        %dma_wait3A_102 = tpu.memref_slice %arg3[%run_scoped3A, %add3A_68, %dma_wait3A_101] : memref<2x2500x128xi32, #tpu.memory_space<hbm>> -> memref<1x1x128xi32, #tpu.memory_space<hbm>>
        %dma_wait3A_103 = tpu.memref_squeeze %dma_wait3A_102 : memref<1x1x128xi32, #tpu.memory_space<hbm>> -> memref<1x128xi32, #tpu.memory_space<hbm>>
        %dma_wait3A_104 = arith.constant 0 : i32
        %dma_wait3A_105 = arith.constant 0 : i32
        %dma_wait3A_106 = tpu.memref_slice %arg5[%dma_wait3A_104, %dma_wait3A_105] : memref<26x128xi32, #tpu.memory_space<vmem>> -> memref<1x128xi32, #tpu.memory_space<vmem>>
        %dma_wait3A_107 = arith.constant 0 : i32
        %dma_wait3A_108 = tpu.memref_slice %arg3[%run_scoped3A, %add3A_68, %dma_wait3A_107] : memref<2x2500x128xi32, #tpu.memory_space<hbm>> -> memref<1x1x128xi32, #tpu.memory_space<hbm>>
        %dma_wait3A_109 = tpu.memref_squeeze %dma_wait3A_108 : memref<1x1x128xi32, #tpu.memory_space<hbm>> -> memref<1x128xi32, #tpu.memory_space<hbm>>
        tpu.wait_dma2 semaphore(%run_scoped3A_85 : memref<!tpu.dma_semaphore, #tpu.memory_space<semaphore_mem>>) src(%dma_wait3A_109 : memref<1x128xi32, #tpu.memory_space<hbm>>) dst(%dma_wait3A_106 : memref<1x128xi32, #tpu.memory_space<vmem>>)
        tpu.yield
      }) : () -> ()
      %run_scoped3A_69 = arith.constant 1 : i32
      "tpu.region"() ({
        %run_scoped3A_85 = tpu.sem_alloc : memref<!tpu.dma_semaphore, #tpu.memory_space<semaphore_mem>>
        %dma_start3A_86 = arith.constant 0 : i32
        %dma_start3A_87 = arith.constant 0 : i32
        %dma_start3A_88 = tpu.memref_slice %arg6[%dma_start3A_86, %dma_start3A_87] : memref<26x128xi32, #tpu.memory_space<vmem>> -> memref<1x128xi32, #tpu.memory_space<vmem>>
        %dma_start3A_89 = arith.constant 0 : i32
        %dma_start3A_90 = tpu.memref_slice %arg3[%run_scoped3A_69, %add3A_68, %dma_start3A_89] : memref<2x2500x128xi32, #tpu.memory_space<hbm>> -> memref<1x1x128xi32, #tpu.memory_space<hbm>>
        %dma_start3A_91 = tpu.memref_squeeze %dma_start3A_90 : memref<1x1x128xi32, #tpu.memory_space<hbm>> -> memref<1x128xi32, #tpu.memory_space<hbm>>
        %dma_start3A_92 = arith.constant 0 : i32
        %dma_start3A_93 = arith.constant 0 : i32
        %dma_start3A_94 = tpu.memref_slice %arg6[%dma_start3A_92, %dma_start3A_93] : memref<26x128xi32, #tpu.memory_space<vmem>> -> memref<1x128xi32, #tpu.memory_space<vmem>>
        %dma_start3A_95 = arith.constant 0 : i32
        %dma_start3A_96 = tpu.memref_slice %arg3[%run_scoped3A_69, %add3A_68, %dma_start3A_95] : memref<2x2500x128xi32, #tpu.memory_space<hbm>> -> memref<1x1x128xi32, #tpu.memory_space<hbm>>
        %dma_start3A_97 = tpu.memref_squeeze %dma_start3A_96 : memref<1x1x128xi32, #tpu.memory_space<hbm>> -> memref<1x128xi32, #tpu.memory_space<hbm>>
        tpu.enqueue_dma source(%dma_start3A_97 : memref<1x128xi32, #tpu.memory_space<hbm>>) target(%dma_start3A_94 : memref<1x128xi32, #tpu.memory_space<vmem>>) target_semaphore(%run_scoped3A_85 : memref<!tpu.dma_semaphore, #tpu.memory_space<semaphore_mem>>)
        %dma_wait3A_98 = arith.constant 0 : i32
        %dma_wait3A_99 = arith.constant 0 : i32
        %dma_wait3A_100 = tpu.memref_slice %arg6[%dma_wait3A_98, %dma_wait3A_99] : memref<26x128xi32, #tpu.memory_space<vmem>> -> memref<1x128xi32, #tpu.memory_space<vmem>>
        %dma_wait3A_101 = arith.constant 0 : i32
        %dma_wait3A_102 = tpu.memref_slice %arg3[%run_scoped3A_69, %add3A_68, %dma_wait3A_101] : memref<2x2500x128xi32, #tpu.memory_space<hbm>> -> memref<1x1x128xi32, #tpu.memory_space<hbm>>
        %dma_wait3A_103 = tpu.memref_squeeze %dma_wait3A_102 : memref<1x1x128xi32, #tpu.memory_space<hbm>> -> memref<1x128xi32, #tpu.memory_space<hbm>>
        %dma_wait3A_104 = arith.constant 0 : i32
        %dma_wait3A_105 = arith.constant 0 : i32
        %dma_wait3A_106 = tpu.memref_slice %arg6[%dma_wait3A_104, %dma_wait3A_105] : memref<26x128xi32, #tpu.memory_space<vmem>> -> memref<1x128xi32, #tpu.memory_space<vmem>>
        %dma_wait3A_107 = arith.constant 0 : i32
        %dma_wait3A_108 = tpu.memref_slice %arg3[%run_scoped3A_69, %add3A_68, %dma_wait3A_107] : memref<2x2500x128xi32, #tpu.memory_space<hbm>> -> memref<1x1x128xi32, #tpu.memory_space<hbm>>
        %dma_wait3A_109 = tpu.memref_squeeze %dma_wait3A_108 : memref<1x1x128xi32, #tpu.memory_space<hbm>> -> memref<1x128xi32, #tpu.memory_space<hbm>>
        tpu.wait_dma2 semaphore(%run_scoped3A_85 : memref<!tpu.dma_semaphore, #tpu.memory_space<semaphore_mem>>) src(%dma_wait3A_109 : memref<1x128xi32, #tpu.memory_space<hbm>>) dst(%dma_wait3A_106 : memref<1x128xi32, #tpu.memory_space<vmem>>)
        tpu.yield
      }) : () -> ()
      %dma_start3A_70 = arith.constant 0 : i32
      %dma_start3A_71 = arith.constant 0 : i32
      %dma_start3A_72 = tpu.memref_slice %arg5[%dma_start3A_70, %dma_start3A_71] : memref<26x128xi32, #tpu.memory_space<vmem>> -> memref<1x128xi32, #tpu.memory_space<vmem>>
      %dma_start3A_73 = tpu.memref_squeeze %dma_start3A_72 : memref<1x128xi32, #tpu.memory_space<vmem>> -> memref<128xi32, #tpu.memory_space<vmem>>
      %dma_start3A_74 = arith.constant 0 : i32
      %dma_start3A_75 = arith.constant 0 : i32
      %dma_start3A_76 = tpu.memref_slice %arg2[%dma_start3A_74, %dma_start3A_75] : memref<10000x128xf32, #tpu.memory_space<hbm>> -> memref<10000x128xf32, #tpu.memory_space<hbm>>
      tpu.enqueue_indirect_dma source(%dma_start3A_76 : memref<10000x128xf32, #tpu.memory_space<hbm>>) target(%arg7 : memref<128x128xf32, #tpu.memory_space<vmem>>) offsets(%dma_start3A_73 : memref<128xi32, #tpu.memory_space<vmem>>) semaphore(%arg10 : memref<!tpu.dma_semaphore, #tpu.memory_space<semaphore_mem>>)
      %dma_wait3A_77 = arith.constant 0 : i32
      %dma_wait3A_78 = arith.constant 0 : i32
      %dma_wait3A_79 = tpu.memref_slice %arg5[%dma_wait3A_77, %dma_wait3A_78] : memref<26x128xi32, #tpu.memory_space<vmem>> -> memref<1x128xi32, #tpu.memory_space<vmem>>
      %dma_wait3A_80 = tpu.memref_squeeze %dma_wait3A_79 : memref<1x128xi32, #tpu.memory_space<vmem>> -> memref<128xi32, #tpu.memory_space<vmem>>
      %dma_wait3A_81 = arith.constant 0 : i32
      %dma_wait3A_82 = arith.constant 0 : i32
      %dma_wait3A_83 = tpu.memref_slice %arg2[%dma_wait3A_81, %dma_wait3A_82] : memref<10000x128xf32, #tpu.memory_space<hbm>> -> memref<10000x128xf32, #tpu.memory_space<hbm>>
      tpu.wait_indirect_dma semaphore(%arg10 : memref<!tpu.dma_semaphore, #tpu.memory_space<semaphore_mem>>) src(%dma_wait3A_83 : memref<10000x128xf32, #tpu.memory_space<hbm>>) dst(%arg7 : memref<128x128xf32, #tpu.memory_space<vmem>>)
      %run_scoped3A_84 = arith.constant 0 : i32
      "tpu.region"() ({
        %run_scoped3A_85 = tpu.sem_alloc : memref<!tpu.dma_semaphore, #tpu.memory_space<semaphore_mem>>
        %dma_start3A_86 = arith.constant 0 : i32
        %dma_start3A_87 = tpu.memref_slice %arg6[%run_scoped3A_84, %dma_start3A_86] : memref<26x128xi32, #tpu.memory_space<vmem>> -> memref<1x128xi32, #tpu.memory_space<vmem>>
        %dma_start3A_88 = tpu.memref_squeeze %dma_start3A_87 : memref<1x128xi32, #tpu.memory_space<vmem>> -> memref<128xi32, #tpu.memory_space<vmem>>
        %dma_start3A_89 = arith.constant 0 : i32
        %dma_start3A_90 = arith.constant 0 : i32
        %dma_start3A_91 = tpu.memref_slice %arg9[%dma_start3A_89, %dma_start3A_90] : memref<10000x128xf32, #tpu.memory_space<vmem_shared>> -> memref<10000x128xf32, #tpu.memory_space<vmem_shared>>
        tpu.enqueue_indirect_dma source(%arg7 : memref<128x128xf32, #tpu.memory_space<vmem>>) target(%dma_start3A_91 : memref<10000x128xf32, #tpu.memory_space<vmem_shared>>) offsets(%dma_start3A_88 : memref<128xi32, #tpu.memory_space<vmem>>) semaphore(%run_scoped3A_85 : memref<!tpu.dma_semaphore, #tpu.memory_space<semaphore_mem>>) {add = true}
        %dma_wait3A_92 = arith.constant 0 : i32
        %dma_wait3A_93 = tpu.memref_slice %arg6[%run_scoped3A_84, %dma_wait3A_92] : memref<26x128xi32, #tpu.memory_space<vmem>> -> memref<1x128xi32, #tpu.memory_space<vmem>>
        %dma_wait3A_94 = tpu.memref_squeeze %dma_wait3A_93 : memref<1x128xi32, #tpu.memory_space<vmem>> -> memref<128xi32, #tpu.memory_space<vmem>>
        %dma_wait3A_95 = arith.constant 0 : i32
        %dma_wait3A_96 = arith.constant 0 : i32
        %dma_wait3A_97 = tpu.memref_slice %arg9[%dma_wait3A_95, %dma_wait3A_96] : memref<10000x128xf32, #tpu.memory_space<vmem_shared>> -> memref<10000x128xf32, #tpu.memory_space<vmem_shared>>
        tpu.wait_indirect_dma semaphore(%run_scoped3A_85 : memref<!tpu.dma_semaphore, #tpu.memory_space<semaphore_mem>>) src(%arg7 : memref<128x128xf32, #tpu.memory_space<vmem>>) dst(%dma_wait3A_97 : memref<10000x128xf32, #tpu.memory_space<vmem_shared>>)
        tpu.yield
      }) : () -> ()
    } else {
    }
    %barrier3A_62 = arith.constant 0 : index
    tpu.barrier barrier_id(%barrier3A_62)
    %mul3A_63 = arith.constant 625 : i32
    %mul3A_64 = arith.muli %arg1, %mul3A_63 : i32
    %mul3A_65 = arith.constant 625 : i32
    %mul3A_66 = arith.muli %arg1, %mul3A_65 : i32
    "tpu.region"() ({
      %run_scoped3A = tpu.sem_alloc : memref<!tpu.dma_semaphore, #tpu.memory_space<semaphore_mem>>
      %dma_start3A_67 = arith.constant 0 : i32
      %dma_start3A_68 = tpu.memref_slice %arg4[%arg0, %mul3A_66, %dma_start3A_67] : memref<2x10000x128xf32, #tpu.memory_space<hbm>> -> memref<1x625x128xf32, #tpu.memory_space<hbm>>
      %dma_start3A_69 = tpu.memref_squeeze %dma_start3A_68 : memref<1x625x128xf32, #tpu.memory_space<hbm>> -> memref<625x128xf32, #tpu.memory_space<hbm>>
      %dma_start3A_70 = arith.constant 0 : i32
      %dma_start3A_71 = tpu.memref_slice %arg9[%mul3A_64, %dma_start3A_70] : memref<10000x128xf32, #tpu.memory_space<vmem_shared>> -> memref<625x128xf32, #tpu.memory_space<vmem_shared>>
      tpu.enqueue_dma source(%dma_start3A_71 : memref<625x128xf32, #tpu.memory_space<vmem_shared>>) target(%dma_start3A_69 : memref<625x128xf32, #tpu.memory_space<hbm>>) target_semaphore(%run_scoped3A : memref<!tpu.dma_semaphore, #tpu.memory_space<semaphore_mem>>)
      %dma_wait3A_72 = arith.constant 0 : i32
      %dma_wait3A_73 = tpu.memref_slice %arg4[%arg0, %mul3A_66, %dma_wait3A_72] : memref<2x10000x128xf32, #tpu.memory_space<hbm>> -> memref<1x625x128xf32, #tpu.memory_space<hbm>>
      %dma_wait3A_74 = tpu.memref_squeeze %dma_wait3A_73 : memref<1x625x128xf32, #tpu.memory_space<hbm>> -> memref<625x128xf32, #tpu.memory_space<hbm>>
      %dma_wait3A_75 = arith.constant 0 : i32
      %dma_wait3A_76 = tpu.memref_slice %arg9[%mul3A_64, %dma_wait3A_75] : memref<10000x128xf32, #tpu.memory_space<vmem_shared>> -> memref<625x128xf32, #tpu.memory_space<vmem_shared>>
      tpu.wait_dma2 semaphore(%run_scoped3A : memref<!tpu.dma_semaphore, #tpu.memory_space<semaphore_mem>>) src(%dma_wait3A_76 : memref<625x128xf32, #tpu.memory_space<vmem_shared>>) dst(%dma_wait3A_74 : memref<625x128xf32, #tpu.memory_space<hbm>>)
      tpu.yield
    }) : () -> ()
    return
  }
}

module attributes {stable_mosaic.version = 14 : i64} {
  func.func @_proj_body(%arg0: i32, %arg1: memref<1000x128xf32, #tpu.memory_space<vmem>>, %arg2: memref<1x1x1000xi32, #tpu.memory_space<vmem>>, %arg3: memref<64x16xf32, #tpu.memory_space<vmem>>, %arg4: memref<64x16xf32, #tpu.memory_space<vmem>>, %arg5: memref<160x128xf32, #tpu.memory_space<vmem>>, %arg6: memref<1000x128xf32, #tpu.memory_space<vmem>>) attributes {dimension_semantics = [#tpu.dimension_semantics<arbitrary>], iteration_bounds = array<i64: 10>, scalar_prefetch = 0 : i64, scratch_operands = 0 : i64, tpu.core_type = #tpu.core_type<tc>, window_params = [{transform_indices = @transform_0, window_bounds = array<i64: 1000, 128>}, {transform_indices = @transform_1, window_bounds = array<i64: 1, 1, 1000>}, {pipeline_mode = #tpu.pipeline_mode<synchronous>, transform_indices = @transform_2, window_bounds = array<i64: 64, 16>}, {pipeline_mode = #tpu.pipeline_mode<synchronous>, transform_indices = @transform_3, window_bounds = array<i64: 64, 16>}, {pipeline_mode = #tpu.pipeline_mode<synchronous>, transform_indices = @transform_4, window_bounds = array<i64: 160, 128>}, {transform_indices = @transform_5, window_bounds = array<i64: 1000, 128>}]} {
    %get3A = arith.constant 0 : index
    %get3A_0 = arith.constant 0 : index
    %get3A_1 = vector.load %arg3[%get3A, %get3A_0] : memref<64x16xf32, #tpu.memory_space<vmem>>, vector<64x16xf32>
    %get3A_2 = arith.constant 0 : index
    %get3A_3 = arith.constant 0 : index
    %get3A_4 = vector.load %arg4[%get3A_2, %get3A_3] : memref<64x16xf32, #tpu.memory_space<vmem>>, vector<64x16xf32>
    %concatenate3A = tpu.concatenate %get3A_1, %get3A_4 in 1 : vector<64x16xf32>, vector<64x16xf32> -> vector<64x32xf32>
    %get3A_5 = arith.constant 128 : index
    %get3A_6 = arith.constant 0 : index
    %get3A_7 = vector.load %arg5[%get3A_5, %get3A_6] : memref<160x128xf32, #tpu.memory_space<vmem>>, vector<32x128xf32>
    %dot_general3A = arith.constant dense<0.000000e+00> : vector<64x128xf32>
    %dot_general3A_8 = tpu.matmul %concatenate3A, %get3A_7, %dot_general3A {dimension_numbers = #tpu.dot_dimension_numbers<[1], [0], [0], [1], [0, 0, 1, 1], [], []>, transpose_lhs_hint = false} : vector<64x32xf32>, vector<32x128xf32>, vector<64x128xf32> -> vector<64x128xf32>
    %get3A_9 = arith.constant 0 : index
    %get3A_10 = arith.constant 0 : index
    %get3A_11 = arith.constant 0 : index
    %get3A_12 = vector.load %arg2[%get3A_9, %get3A_10, %get3A_11] : memref<1x1x1000xi32, #tpu.memory_space<vmem>>, vector<1x1x1000xi32>
    %get3A_13 = vector.shape_cast %get3A_12 : vector<1x1x1000xi32> to vector<1000xi32>
    %iota3A = tpu.iota {dimensions = array<i32: 1>} : vector<1000x64xi32>
    %broadcast_in_dim3A = vector.shape_cast %get3A_13 : vector<1000xi32> to vector<1000x1xi32>
    %eq3A = vector.broadcast %broadcast_in_dim3A : vector<1000x1xi32> to vector<1000x64xi32>
    %eq3A_14 = arith.cmpi eq, %eq3A, %iota3A : vector<1000x64xi32>
    %jit3A = arith.constant 1.000000e+00 : f32
    %jit3A_15 = arith.constant 0.000000e+00 : f32
    %broadcast_in_dim3A_16 = vector.broadcast %jit3A : f32 to vector<1000x64xf32>
    %broadcast_in_dim3A_17 = vector.broadcast %jit3A_15 : f32 to vector<1000x64xf32>
    %select_n3A = arith.select %eq3A_14, %broadcast_in_dim3A_16, %broadcast_in_dim3A_17 : vector<1000x64xi1>, vector<1000x64xf32>
    %get3A_18 = arith.constant 0 : index
    %get3A_19 = arith.constant 0 : index
    %get3A_20 = vector.load %arg1[%get3A_18, %get3A_19] : memref<1000x128xf32, #tpu.memory_space<vmem>>, vector<1000x128xf32>
    %get3A_21 = arith.constant 0 : index
    %get3A_22 = arith.constant 0 : index
    %get3A_23 = vector.load %arg5[%get3A_21, %get3A_22] : memref<160x128xf32, #tpu.memory_space<vmem>>, vector<128x128xf32>
    %dot_general3A_24 = arith.constant dense<0.000000e+00> : vector<1000x128xf32>
    %dot_general3A_25 = tpu.matmul %get3A_20, %get3A_23, %dot_general3A_24 {dimension_numbers = #tpu.dot_dimension_numbers<[1], [0], [0], [1], [0, 0, 1, 1], [], []>, transpose_lhs_hint = false} : vector<1000x128xf32>, vector<128x128xf32>, vector<1000x128xf32> -> vector<1000x128xf32>
    %dot_general3A_26 = arith.constant dense<0.000000e+00> : vector<1000x128xf32>
    %dot_general3A_27 = tpu.matmul %select_n3A, %dot_general3A_8, %dot_general3A_26 {dimension_numbers = #tpu.dot_dimension_numbers<[1], [0], [0], [1], [0, 0, 1, 1], [], []>, transpose_lhs_hint = false} : vector<1000x64xf32>, vector<64x128xf32>, vector<1000x128xf32> -> vector<1000x128xf32>
    %add3A = arith.addf %dot_general3A_25, %dot_general3A_27 : vector<1000x128xf32>
    %swap3A = arith.constant 0 : index
    %swap3A_28 = arith.constant 0 : index
    %swap3A_29 = vector.load %arg6[%swap3A, %swap3A_28] : memref<1000x128xf32, #tpu.memory_space<vmem>>, vector<1000x128xf32>
    tpu.vector_store %arg6[%swap3A, %swap3A_28], %add3A {strides = array<i32>} : memref<1000x128xf32, #tpu.memory_space<vmem>>, vector<1000x128xf32>,
    return
  }
  func.func @transform_0(%arg0: i32) -> (i32, i32) {
    %c0_i32 = arith.constant 0 : i32
    %c0_i32_0 = arith.constant 0 : i32
    return %arg0, %c0_i32 : i32, i32
  }
  func.func @transform_1(%arg0: i32) -> (i32, i32, i32) {
    %c0_i32 = arith.constant 0 : i32
    %c0_i32_0 = arith.constant 0 : i32
    %c0_i32_1 = arith.constant 0 : i32
    return %arg0, %c0_i32, %c0_i32_0 : i32, i32, i32
  }
  func.func @transform_2(%arg0: i32) -> (i32, i32) {
    %c0_i32 = arith.constant 0 : i32
    %c0_i32_0 = arith.constant 0 : i32
    %c0_i32_1 = arith.constant 0 : i32
    return %c0_i32, %c0_i32_0 : i32, i32
  }
  func.func @transform_3(%arg0: i32) -> (i32, i32) {
    %c0_i32 = arith.constant 0 : i32
    %c0_i32_0 = arith.constant 0 : i32
    %c0_i32_1 = arith.constant 0 : i32
    return %c0_i32, %c0_i32_0 : i32, i32
  }
  func.func @transform_4(%arg0: i32) -> (i32, i32) {
    %c0_i32 = arith.constant 0 : i32
    %c0_i32_0 = arith.constant 0 : i32
    %c0_i32_1 = arith.constant 0 : i32
    return %c0_i32, %c0_i32_0 : i32, i32
  }
  func.func @transform_5(%arg0: i32) -> (i32, i32) {
    %c0_i32 = arith.constant 0 : i32
    %c0_i32_0 = arith.constant 0 : i32
    return %arg0, %c0_i32 : i32, i32
  }
}

module attributes {stable_mosaic.version = 14 : i64} {
  func.func @_mid_body(%arg0: i32, %arg1: memref<1000x128xf32, #tpu.memory_space<vmem>>, %arg2: memref<2x1000x128xf32, #tpu.memory_space<vmem>>, %arg3: memref<1x1x1000xi32, #tpu.memory_space<vmem>>, %arg4: memref<64x16xf32, #tpu.memory_space<vmem>>, %arg5: memref<64x16xf32, #tpu.memory_space<vmem>>, %arg6: memref<128xf32, #tpu.memory_space<vmem>>, %arg7: memref<128x128xf32, #tpu.memory_space<vmem>>, %arg8: memref<128xf32, #tpu.memory_space<vmem>>, %arg9: memref<160x128xf32, #tpu.memory_space<vmem>>, %arg10: memref<1000x128xf32, #tpu.memory_space<vmem>>) attributes {dimension_semantics = [#tpu.dimension_semantics<arbitrary>], iteration_bounds = array<i64: 10>, scalar_prefetch = 0 : i64, scratch_operands = 0 : i64, tpu.core_type = #tpu.core_type<tc>, window_params = [{transform_indices = @transform_0, window_bounds = array<i64: 1000, 128>}, {transform_indices = @transform_1, window_bounds = array<i64: 2, 1000, 128>}, {transform_indices = @transform_2, window_bounds = array<i64: 1, 1, 1000>}, {pipeline_mode = #tpu.pipeline_mode<synchronous>, transform_indices = @transform_3, window_bounds = array<i64: 64, 16>}, {pipeline_mode = #tpu.pipeline_mode<synchronous>, transform_indices = @transform_4, window_bounds = array<i64: 64, 16>}, {pipeline_mode = #tpu.pipeline_mode<synchronous>, transform_indices = @transform_5, window_bounds = array<i64: 128>}, {pipeline_mode = #tpu.pipeline_mode<synchronous>, transform_indices = @transform_6, window_bounds = array<i64: 128, 128>}, {pipeline_mode = #tpu.pipeline_mode<synchronous>, transform_indices = @transform_7, window_bounds = array<i64: 128>}, {pipeline_mode = #tpu.pipeline_mode<synchronous>, transform_indices = @transform_8, window_bounds = array<i64: 160, 128>}, {transform_indices = @transform_9, window_bounds = array<i64: 1000, 128>}]} {
    %get3A = arith.constant 0 : index
    %get3A_0 = arith.constant 0 : index
    %get3A_1 = vector.load %arg1[%get3A, %get3A_0] : memref<1000x128xf32, #tpu.memory_space<vmem>>, vector<1000x128xf32>
    %get3A_2 = arith.constant 0 : index
    %get3A_3 = arith.constant 0 : index
    %get3A_4 = arith.constant 0 : index
    %get3A_5 = vector.load %arg2[%get3A_2, %get3A_3, %get3A_4] : memref<2x1000x128xf32, #tpu.memory_space<vmem>>, vector<1x1000x128xf32>
    %get3A_6 = vector.shape_cast %get3A_5 : vector<1x1000x128xf32> to vector<1000x128xf32>
    %add3A = arith.addf %get3A_1, %get3A_6 : vector<1000x128xf32>
    %get3A_7 = arith.constant 1 : index
    %get3A_8 = arith.constant 0 : index
    %get3A_9 = arith.constant 0 : index
    %get3A_10 = vector.load %arg2[%get3A_7, %get3A_8, %get3A_9] : memref<2x1000x128xf32, #tpu.memory_space<vmem>>, vector<1x1000x128xf32>
    %get3A_11 = vector.shape_cast %get3A_10 : vector<1x1000x128xf32> to vector<1000x128xf32>
    %add3A_12 = arith.addf %add3A, %get3A_11 : vector<1000x128xf32>
    %get3A_13 = arith.constant 0 : index
    %get3A_14 = vector.load %arg6[%get3A_13] : memref<128xf32, #tpu.memory_space<vmem>>, vector<128xf32>
    %broadcast_in_dim3A = vector.shape_cast %get3A_14 : vector<128xf32> to vector<1x128xf32>
    %add3A_15 = vector.broadcast %broadcast_in_dim3A : vector<1x128xf32> to vector<1000x128xf32>
    %add3A_16 = arith.addf %add3A_12, %add3A_15 : vector<1000x128xf32>
    %ge3A = arith.constant 0.000000e+00 : f32
    %ge3A_17 = vector.broadcast %ge3A : f32 to vector<1000x128xf32>
    %ge3A_18 = arith.cmpf oge, %add3A_16, %ge3A_17 : vector<1000x128xf32>
    %mul3A = arith.constant 0.00999999977 : f32
    %mul3A_19 = vector.broadcast %mul3A : f32 to vector<1000x128xf32>
    %mul3A_20 = arith.mulf %mul3A_19, %add3A_16 : vector<1000x128xf32>
    %select_n3A = arith.select %ge3A_18, %add3A_16, %mul3A_20 : vector<1000x128xi1>, vector<1000x128xf32>
    %get3A_21 = arith.constant 0 : index
    %get3A_22 = arith.constant 0 : index
    %get3A_23 = vector.load %arg7[%get3A_21, %get3A_22] : memref<128x128xf32, #tpu.memory_space<vmem>>, vector<128x128xf32>
    %dot_general3A = arith.constant dense<0.000000e+00> : vector<1000x128xf32>
    %dot_general3A_24 = tpu.matmul %select_n3A, %get3A_23, %dot_general3A {dimension_numbers = #tpu.dot_dimension_numbers<[1], [0], [0], [1], [0, 0, 1, 1], [], []>, transpose_lhs_hint = false} : vector<1000x128xf32>, vector<128x128xf32>, vector<1000x128xf32> -> vector<1000x128xf32>
    %get3A_25 = arith.constant 0 : index
    %get3A_26 = vector.load %arg8[%get3A_25] : memref<128xf32, #tpu.memory_space<vmem>>, vector<128xf32>
    %broadcast_in_dim3A_27 = vector.shape_cast %get3A_26 : vector<128xf32> to vector<1x128xf32>
    %add3A_28 = vector.broadcast %broadcast_in_dim3A_27 : vector<1x128xf32> to vector<1000x128xf32>
    %add3A_29 = arith.addf %dot_general3A_24, %add3A_28 : vector<1000x128xf32>
    %get3A_30 = arith.constant 0 : index
    %get3A_31 = arith.constant 0 : index
    %get3A_32 = vector.load %arg4[%get3A_30, %get3A_31] : memref<64x16xf32, #tpu.memory_space<vmem>>, vector<64x16xf32>
    %get3A_33 = arith.constant 0 : index
    %get3A_34 = arith.constant 0 : index
    %get3A_35 = vector.load %arg5[%get3A_33, %get3A_34] : memref<64x16xf32, #tpu.memory_space<vmem>>, vector<64x16xf32>
    %concatenate3A = tpu.concatenate %get3A_32, %get3A_35 in 1 : vector<64x16xf32>, vector<64x16xf32> -> vector<64x32xf32>
    %get3A_36 = arith.constant 128 : index
    %get3A_37 = arith.constant 0 : index
    %get3A_38 = vector.load %arg9[%get3A_36, %get3A_37] : memref<160x128xf32, #tpu.memory_space<vmem>>, vector<32x128xf32>
    %dot_general3A_39 = arith.constant dense<0.000000e+00> : vector<64x128xf32>
    %dot_general3A_40 = tpu.matmul %concatenate3A, %get3A_38, %dot_general3A_39 {dimension_numbers = #tpu.dot_dimension_numbers<[1], [0], [0], [1], [0, 0, 1, 1], [], []>, transpose_lhs_hint = false} : vector<64x32xf32>, vector<32x128xf32>, vector<64x128xf32> -> vector<64x128xf32>
    %get3A_41 = arith.constant 0 : index
    %get3A_42 = arith.constant 0 : index
    %get3A_43 = arith.constant 0 : index
    %get3A_44 = vector.load %arg3[%get3A_41, %get3A_42, %get3A_43] : memref<1x1x1000xi32, #tpu.memory_space<vmem>>, vector<1x1x1000xi32>
    %get3A_45 = vector.shape_cast %get3A_44 : vector<1x1x1000xi32> to vector<1000xi32>
    %iota3A = tpu.iota {dimensions = array<i32: 1>} : vector<1000x64xi32>
    %broadcast_in_dim3A_46 = vector.shape_cast %get3A_45 : vector<1000xi32> to vector<1000x1xi32>
    %eq3A = vector.broadcast %broadcast_in_dim3A_46 : vector<1000x1xi32> to vector<1000x64xi32>
    %eq3A_47 = arith.cmpi eq, %eq3A, %iota3A : vector<1000x64xi32>
    %jit3A = arith.constant 1.000000e+00 : f32
    %jit3A_48 = arith.constant 0.000000e+00 : f32
    %broadcast_in_dim3A_49 = vector.broadcast %jit3A : f32 to vector<1000x64xf32>
    %broadcast_in_dim3A_50 = vector.broadcast %jit3A_48 : f32 to vector<1000x64xf32>
    %select_n3A_51 = arith.select %eq3A_47, %broadcast_in_dim3A_49, %broadcast_in_dim3A_50 : vector<1000x64xi1>, vector<1000x64xf32>
    %get3A_52 = arith.constant 0 : index
    %get3A_53 = arith.constant 0 : index
    %get3A_54 = vector.load %arg9[%get3A_52, %get3A_53] : memref<160x128xf32, #tpu.memory_space<vmem>>, vector<128x128xf32>
    %dot_general3A_55 = arith.constant dense<0.000000e+00> : vector<1000x128xf32>
    %dot_general3A_56 = tpu.matmul %add3A_29, %get3A_54, %dot_general3A_55 {dimension_numbers = #tpu.dot_dimension_numbers<[1], [0], [0], [1], [0, 0, 1, 1], [], []>, transpose_lhs_hint = false} : vector<1000x128xf32>, vector<128x128xf32>, vector<1000x128xf32> -> vector<1000x128xf32>
    %dot_general3A_57 = arith.constant dense<0.000000e+00> : vector<1000x128xf32>
    %dot_general3A_58 = tpu.matmul %select_n3A_51, %dot_general3A_40, %dot_general3A_57 {dimension_numbers = #tpu.dot_dimension_numbers<[1], [0], [0], [1], [0, 0, 1, 1], [], []>, transpose_lhs_hint = false} : vector<1000x64xf32>, vector<64x128xf32>, vector<1000x128xf32> -> vector<1000x128xf32>
    %add3A_59 = arith.addf %dot_general3A_56, %dot_general3A_58 : vector<1000x128xf32>
    %swap3A = arith.constant 0 : index
    %swap3A_60 = arith.constant 0 : index
    %swap3A_61 = vector.load %arg10[%swap3A, %swap3A_60] : memref<1000x128xf32, #tpu.memory_space<vmem>>, vector<1000x128xf32>
    tpu.vector_store %arg10[%swap3A, %swap3A_60], %add3A_59 {strides = array<i32>} : memref<1000x128xf32, #tpu.memory_space<vmem>>, vector<1000x128xf32>,
    return
  }
  func.func @transform_0(%arg0: i32) -> (i32, i32) {
    %c0_i32 = arith.constant 0 : i32
    %c0_i32_0 = arith.constant 0 : i32
    return %arg0, %c0_i32 : i32, i32
  }
  func.func @transform_1(%arg0: i32) -> (i32, i32, i32) {
    %c0_i32 = arith.constant 0 : i32
    %c0_i32_0 = arith.constant 0 : i32
    %c0_i32_1 = arith.constant 0 : i32
    return %c0_i32, %arg0, %c0_i32_0 : i32, i32, i32
  }
  func.func @transform_2(%arg0: i32) -> (i32, i32, i32) {
    %c0_i32 = arith.constant 0 : i32
    %c0_i32_0 = arith.constant 0 : i32
    %c0_i32_1 = arith.constant 0 : i32
    return %arg0, %c0_i32, %c0_i32_0 : i32, i32, i32
  }
  func.func @transform_3(%arg0: i32) -> (i32, i32) {
    %c0_i32 = arith.constant 0 : i32
    %c0_i32_0 = arith.constant 0 : i32
    %c0_i32_1 = arith.constant 0 : i32
    return %c0_i32, %c0_i32_0 : i32, i32
  }
  func.func @transform_4(%arg0: i32) -> (i32, i32) {
    %c0_i32 = arith.constant 0 : i32
    %c0_i32_0 = arith.constant 0 : i32
    %c0_i32_1 = arith.constant 0 : i32
    return %c0_i32, %c0_i32_0 : i32, i32
  }
  func.func @transform_5(%arg0: i32) -> i32 {
    %c0_i32 = arith.constant 0 : i32
    %c0_i32_0 = arith.constant 0 : i32
    return %c0_i32 : i32
  }
  func.func @transform_6(%arg0: i32) -> (i32, i32) {
    %c0_i32 = arith.constant 0 : i32
    %c0_i32_0 = arith.constant 0 : i32
    %c0_i32_1 = arith.constant 0 : i32
    return %c0_i32, %c0_i32_0 : i32, i32
  }
  func.func @transform_7(%arg0: i32) -> i32 {
    %c0_i32 = arith.constant 0 : i32
    %c0_i32_0 = arith.constant 0 : i32
    return %c0_i32 : i32
  }
  func.func @transform_8(%arg0: i32) -> (i32, i32) {
    %c0_i32 = arith.constant 0 : i32
    %c0_i32_0 = arith.constant 0 : i32
    %c0_i32_1 = arith.constant 0 : i32
    return %c0_i32, %c0_i32_0 : i32, i32
  }
  func.func @transform_9(%arg0: i32) -> (i32, i32) {
    %c0_i32 = arith.constant 0 : i32
    %c0_i32_0 = arith.constant 0 : i32
    return %arg0, %c0_i32 : i32, i32
  }
}

module attributes {stable_mosaic.version = 14 : i64} {
  func.func @_final_body(%arg0: i32, %arg1: memref<1000x128xf32, #tpu.memory_space<vmem>>, %arg2: memref<2x1000x128xf32, #tpu.memory_space<vmem>>, %arg3: memref<128xf32, #tpu.memory_space<vmem>>, %arg4: memref<128x128xf32, #tpu.memory_space<vmem>>, %arg5: memref<128xf32, #tpu.memory_space<vmem>>, %arg6: memref<1000x128xf32, #tpu.memory_space<vmem>>) attributes {dimension_semantics = [#tpu.dimension_semantics<arbitrary>], iteration_bounds = array<i64: 10>, scalar_prefetch = 0 : i64, scratch_operands = 0 : i64, tpu.core_type = #tpu.core_type<tc>, window_params = [{transform_indices = @transform_0, window_bounds = array<i64: 1000, 128>}, {transform_indices = @transform_1, window_bounds = array<i64: 2, 1000, 128>}, {pipeline_mode = #tpu.pipeline_mode<synchronous>, transform_indices = @transform_2, window_bounds = array<i64: 128>}, {pipeline_mode = #tpu.pipeline_mode<synchronous>, transform_indices = @transform_3, window_bounds = array<i64: 128, 128>}, {pipeline_mode = #tpu.pipeline_mode<synchronous>, transform_indices = @transform_4, window_bounds = array<i64: 128>}, {transform_indices = @transform_5, window_bounds = array<i64: 1000, 128>}]} {
    %get3A = arith.constant 0 : index
    %get3A_0 = arith.constant 0 : index
    %get3A_1 = vector.load %arg1[%get3A, %get3A_0] : memref<1000x128xf32, #tpu.memory_space<vmem>>, vector<1000x128xf32>
    %get3A_2 = arith.constant 0 : index
    %get3A_3 = arith.constant 0 : index
    %get3A_4 = arith.constant 0 : index
    %get3A_5 = vector.load %arg2[%get3A_2, %get3A_3, %get3A_4] : memref<2x1000x128xf32, #tpu.memory_space<vmem>>, vector<1x1000x128xf32>
    %get3A_6 = vector.shape_cast %get3A_5 : vector<1x1000x128xf32> to vector<1000x128xf32>
    %add3A = arith.addf %get3A_1, %get3A_6 : vector<1000x128xf32>
    %get3A_7 = arith.constant 1 : index
    %get3A_8 = arith.constant 0 : index
    %get3A_9 = arith.constant 0 : index
    %get3A_10 = vector.load %arg2[%get3A_7, %get3A_8, %get3A_9] : memref<2x1000x128xf32, #tpu.memory_space<vmem>>, vector<1x1000x128xf32>
    %get3A_11 = vector.shape_cast %get3A_10 : vector<1x1000x128xf32> to vector<1000x128xf32>
    %add3A_12 = arith.addf %add3A, %get3A_11 : vector<1000x128xf32>
    %get3A_13 = arith.constant 0 : index
    %get3A_14 = vector.load %arg3[%get3A_13] : memref<128xf32, #tpu.memory_space<vmem>>, vector<128xf32>
    %broadcast_in_dim3A = vector.shape_cast %get3A_14 : vector<128xf32> to vector<1x128xf32>
    %add3A_15 = vector.broadcast %broadcast_in_dim3A : vector<1x128xf32> to vector<1000x128xf32>
    %add3A_16 = arith.addf %add3A_12, %add3A_15 : vector<1000x128xf32>
    %ge3A = arith.constant 0.000000e+00 : f32
    %ge3A_17 = vector.broadcast %ge3A : f32 to vector<1000x128xf32>
    %ge3A_18 = arith.cmpf oge, %add3A_16, %ge3A_17 : vector<1000x128xf32>
    %mul3A = arith.constant 0.00999999977 : f32
    %mul3A_19 = vector.broadcast %mul3A : f32 to vector<1000x128xf32>
    %mul3A_20 = arith.mulf %mul3A_19, %add3A_16 : vector<1000x128xf32>
    %select_n3A = arith.select %ge3A_18, %add3A_16, %mul3A_20 : vector<1000x128xi1>, vector<1000x128xf32>
    %get3A_21 = arith.constant 0 : index
    %get3A_22 = arith.constant 0 : index
    %get3A_23 = vector.load %arg4[%get3A_21, %get3A_22] : memref<128x128xf32, #tpu.memory_space<vmem>>, vector<128x128xf32>
    %dot_general3A = arith.constant dense<0.000000e+00> : vector<1000x128xf32>
    %dot_general3A_24 = tpu.matmul %select_n3A, %get3A_23, %dot_general3A {dimension_numbers = #tpu.dot_dimension_numbers<[1], [0], [0], [1], [0, 0, 1, 1], [], []>, transpose_lhs_hint = false} : vector<1000x128xf32>, vector<128x128xf32>, vector<1000x128xf32> -> vector<1000x128xf32>
    %get3A_25 = arith.constant 0 : index
    %get3A_26 = vector.load %arg5[%get3A_25] : memref<128xf32, #tpu.memory_space<vmem>>, vector<128xf32>
    %broadcast_in_dim3A_27 = vector.shape_cast %get3A_26 : vector<128xf32> to vector<1x128xf32>
    %add3A_28 = vector.broadcast %broadcast_in_dim3A_27 : vector<1x128xf32> to vector<1000x128xf32>
    %add3A_29 = arith.addf %dot_general3A_24, %add3A_28 : vector<1000x128xf32>
    %swap3A = arith.constant 0 : index
    %swap3A_30 = arith.constant 0 : index
    %swap3A_31 = vector.load %arg6[%swap3A, %swap3A_30] : memref<1000x128xf32, #tpu.memory_space<vmem>>, vector<1000x128xf32>
    tpu.vector_store %arg6[%swap3A, %swap3A_30], %add3A_29 {strides = array<i32>} : memref<1000x128xf32, #tpu.memory_space<vmem>>, vector<1000x128xf32>,
    return
  }
  func.func @transform_0(%arg0: i32) -> (i32, i32) {
    %c0_i32 = arith.constant 0 : i32
    %c0_i32_0 = arith.constant 0 : i32
    return %arg0, %c0_i32 : i32, i32
  }
  func.func @transform_1(%arg0: i32) -> (i32, i32, i32) {
    %c0_i32 = arith.constant 0 : i32
    %c0_i32_0 = arith.constant 0 : i32
    %c0_i32_1 = arith.constant 0 : i32
    return %c0_i32, %arg0, %c0_i32_0 : i32, i32, i32
  }
  func.func @transform_2(%arg0: i32) -> i32 {
    %c0_i32 = arith.constant 0 : i32
    %c0_i32_0 = arith.constant 0 : i32
    return %c0_i32 : i32
  }
  func.func @transform_3(%arg0: i32) -> (i32, i32) {
    %c0_i32 = arith.constant 0 : i32
    %c0_i32_0 = arith.constant 0 : i32
    %c0_i32_1 = arith.constant 0 : i32
    return %c0_i32, %c0_i32_0 : i32, i32
  }
  func.func @transform_4(%arg0: i32) -> i32 {
    %c0_i32 = arith.constant 0 : i32
    %c0_i32_0 = arith.constant 0 : i32
    return %c0_i32 : i32
  }
  func.func @transform_5(%arg0: i32) -> (i32, i32) {
    %c0_i32 = arith.constant 0 : i32
    %c0_i32_0 = arith.constant 0 : i32
    return %arg0, %c0_i32 : i32, i32
  }
}

</mosaic_0001>

<sc_bundles>
// kernel: kernel.10.cloned.1.call-start
scs
__scs_entry_jumppad:
0x0: {  	(pc) =	sbr.rel $0x88, $3  }
0x1: {  	(tag) =	ssettag $0x0;
	lr =	simm.s32 $0x1  }
0x2: {  	[smem:$0x3F94] =	sst lr;
	_ =	strace $0xD0000000  }
0x3: {  	_ = 	snop  }
0x4: {  	_ = 	snop  }
0x5: {  	_ = 	snop  }
0x6: {  	_ = 	snop  }
0x7: {  	_ = 	snop  }
__scs_overlays_trampoline_lowered:
0x8: {  	[smem:$0x3FA3] =	sst s0  }
0x9: {  	[smem:$0x3FA4] =	sst s1  }
0xa: {  	[smem:$0x3FA5] =	sst s2  }
0xb: {  	[smem:$0x3FA6] =	sst s3  }
0xc: {  	[smem:$0x3FA7] =	sst s4  }
0xd: {  	[smem:$0x3FA8] =	sst s5  }
0xe: {  	[smem:$0x3FA9] =	sst s6  }
0xf: {  	[smem:$0x3FAA] =	sst s7  }
0x10: {  	[smem:$0x3FAB] =	sst s8  }
0x11: {  	[smem:$0x3FAC] =	sst s9;
	s0 =	simm.s32 @!p0 $0x0  }
0x12: {  	s1 =	sld [smem:$0x3F92];
	s0 =	simm.s32 @p0 $0x1  }
0x13: {  	[smem:$0x3FAD] =	sst s0;
	s0 =	simm.s32 @!p1 $0x0  }
0x14: {  	s2 =	sld [smem:$0x3F91];
	s0 =	simm.s32 @p1 $0x1  }
0x15: {  	[smem:$0x3FAE] =	sst s0;
	s0 =	simm.s32 @!p2 $0x0  }
0x16: {  	s3 =	sld [smem:$0x3FDB];
	s0 =	simm.s32 @p2 $0x1  }
0x17: {  	s4 =	simm.s32 $0x1BF5;
	[smem:$0x3FB0] =	sst s0  }
0x18: {  	s0 =	sld [smem:$0x3F93];
	_ =	swait.ge [sflag:s4], $0x0  }
0x19: {  	s7 =	sld [smem:$0x3F94]  }
0x1a: {  	s8 =	sadd.s32 $0xFFFFE003, lr  }
0x1b: {  	s9 =	sadd.s32 $0xFFFFFEF7, lr;
	s5 =	simm.s32 $0xFFFFFFFF;
	p2 =	slt.u32 s8, $0xFFFFF086  }
0x1c: {  	p1 =	slt.u32 s9, $0xF7A;
	s5 =	simm.s32 @!p2 $0x0  }
0x1d: {  	s5 =	simm.s32 @p1 $0x1;
	p0 =	seq.s32 s7, s2  }
0x1e: {  	s7 =	smul.u32 @!p0 $0xF7A, s2;
	p2 =	seq.s32 @!p0 s5, $0x0  }
0x1f: {  	s9 =	smul.u32 $0xF7A, s1;
	s8 =	simm.s32 @!p0 $0x1BF5;
	p2 =	por !p2, p0  }
0x20: {  	[sflag:s8] =	ssyncset.s32 @!p0 $0xFFFFF086;
	s6 =	sadd.s32 @!p0 s3, s7;
	s7 =	simm.s32 @!p0 $0x108  }
0x21: {  	s3 =	sadd.s32 s3, s9;
	s6 =	sadd.s32 @!p0 $0x88, s6;
	s7 =	simm.s32 @p2 $0x1082  }
0x22: {  	[simem:s7], [sflag:s8] =	dma.local @!p0 [hbm:s6], $0xF7A  }
0x23: {  	s9 =	sor.u32 $0xD0000000, s2;
	s6 =	simm.s32 $0x108;
	_ =	swait.ge @!p0 [sflag:s8], $0x0  }
0x24: {  	s3 =	sadd.s32 $0x88, s3;
	s6 =	simm.s32 @!p1 $0x1082;
	[sflag:s4] =	ssyncset.s32 $0xFFFFF086  }
0x25: {  	[simem:s6], [sflag:s4] =	dma.local [hbm:s3], $0xF7A  }
0x26: {  	[smem:$0x3F94] =	sst s1;
	(tag) =	ssettag s2;
	_ =	strace s9  }
0x27: {  	s1 =	sld [smem:$0x3FA4]  }
0x28: {  	s2 =	sld [smem:$0x3FA5]  }
0x29: {  	s4 =	sld [smem:$0x3FA7]  }
0x2a: {  	p0 =	seq.s32 s5, $0x0;
	s5 =	sld [smem:$0x3FA8]  }
0x2b: {  	s6 =	sld [smem:$0x3FA9]  }
0x2c: {  	s7 =	sld [smem:$0x3FAA]  }
0x2d: {  	s3 =	simm.s32 $0x108;
	s8 =	sld [smem:$0x3FAB]  }
0x2e: {  	s3 =	simm.s32 @!p0 $0x1082;
	s9 =	sld [smem:$0x3FAC]  }
0x2f: {  	lr =	sadd.s32 s0, s3;
	s0 =	sld [smem:$0x3FA3]  }
0x30: {  	s3 =	sld [smem:$0x3FA6]  }
0x31: {  	[smem:$0x3FAF] =	sst s10  }
0x32: {  	s10 =	sld [smem:$0x3FAD];
	_ =	sdelay $0x3  }
0x33: {  	p0 =	seq.s32 s10, $0x1;
	s10 =	sld [smem:$0x3FAF];
	_ =	sdelay $0x3  }
0x34: {  	[smem:$0x3FAF] =	sst s10  }
0x35: {  	s10 =	sld [smem:$0x3FAE];
	_ =	sdelay $0x3  }
0x36: {  	p1 =	seq.s32 s10, $0x1;
	s10 =	sld [smem:$0x3FAF];
	_ =	sdelay $0x3  }
0x37: {  	[smem:$0x3FAF] =	sst s10  }
0x38: {  	s10 =	sld [smem:$0x3FB0]  }
0x39: {  	_ = 	snop;
	(pc) =	sbr.ind lr, $3  }
0x3a: {  	_ = 	snop  }
0x3b: {  	_ = 	snop  }
0x3c: {  	p2 =	seq.s32 s10, $0x1;
	s10 =	sld [smem:$0x3FAF]  }
0x3d: {  	_ =	shalt  }
0x3e: {  	_ =	shalt  }
0x3f: {  	_ =	shalt  }
0x40: {  	_ =	shalt  }
0x41: {  	_ =	shalt  }
0x42: {  	_ =	shalt  }
0x43: {  	_ =	shalt  }
0x44: {  	_ =	shalt  }
0x45: {  	_ =	shalt  }
0x46: {  	_ =	shalt  }
0x47: {  	_ =	shalt  }
0x48: {  	_ =	shalt  }
0x49: {  	_ =	shalt  }
0x4a: {  	_ =	shalt  }
0x4b: {  	_ =	shalt  }
0x4c: {  	_ =	shalt  }
0x4d: {  	_ =	shalt  }
0x4e: {  	_ =	shalt  }
0x4f: {  	_ =	shalt  }
0x50: {  	_ =	shalt  }
0x51: {  	_ =	shalt  }
0x52: {  	_ =	shalt  }
0x53: {  	_ =	shalt  }
0x54: {  	_ =	shalt  }
0x55: {  	_ =	shalt  }
0x56: {  	_ =	shalt  }
0x57: {  	_ =	shalt  }
0x58: {  	_ =	shalt  }
0x59: {  	_ =	shalt  }
0x5a: {  	_ =	shalt  }
0x5b: {  	_ =	shalt  }
0x5c: {  	_ =	shalt  }
0x5d: {  	_ =	shalt  }
0x5e: {  	_ =	shalt  }
0x5f: {  	_ =	shalt  }
0x60: {  	_ =	shalt  }
0x61: {  	_ =	shalt  }
0x62: {  	_ =	shalt  }
0x63: {  	_ =	shalt  }
0x64: {  	_ =	shalt  }
0x65: {  	_ =	shalt  }
0x66: {  	_ =	shalt  }
0x67: {  	_ =	shalt  }
0x68: {  	_ =	shalt  }
0x69: {  	_ =	shalt  }
0x6a: {  	_ =	shalt  }
0x6b: {  	_ =	shalt  }
0x6c: {  	_ =	shalt  }
0x6d: {  	_ =	shalt  }
0x6e: {  	_ =	shalt  }
0x6f: {  	_ =	shalt  }
0x70: {  	_ =	shalt  }
0x71: {  	_ =	shalt  }
0x72: {  	_ =	shalt  }
0x73: {  	_ =	shalt  }
0x74: {  	_ =	shalt  }
0x75: {  	_ =	shalt  }
0x76: {  	_ =	shalt  }
0x77: {  	_ =	shalt  }
0x78: {  	_ =	shalt  }
0x79: {  	_ =	shalt  }
0x7a: {  	_ =	shalt  }
0x7b: {  	_ =	shalt  }
0x7c: {  	_ =	shalt  }
0x7d: {  	_ =	shalt  }
0x7e: {  	_ =	shalt  }
0x7f: {  	_ =	shalt  }
0x80: {  	_ =	shalt  }
0x81: {  	_ =	shalt  }
0x82: {  	_ =	shalt  }
0x83: {  	_ =	shalt  }
0x84: {  	_ =	shalt  }
0x85: {  	_ =	shalt  }
0x86: {  	_ =	shalt  }
0x87: {  	_ =	shalt  }
.Lfunc_end0:
.L_simem_size_0:
called_computation.1_lowered:
.L_overlay_start_0:
0x88: {  	s2 =	sld [smem:$0x3FD9]  }
0x89: {  	s3 =	sld [smem:$0x3FFE];
	_ =	sdelay $0x1  }
0x8a: {  	s1 =	srdreg.scid  }
0x8b: {  	s0 =	sand.u32 $0x1, s1  }
0x8c: {  	s17 =	sshll.u32 s0, $0xA;
	s2 =	sadd.s32 s3, s2  }
0x8d: {  	s2 =	sadd.s32 s2, s17  }
0x8e: {  	[smem:$0x3FBB] =	sst s2  }
0x8f: {  	_ = 	snop  }
0x90: {  	s2 =	sld [smem:$0x3FD0];
	(tm) =	ssettm $0x1  }
0x91: {  	s18 =	sld [smem:$0x3FFB];
	_ =	sdelay $0x3  }
0x92: {  	_ =	strace s18  }
0x93: {  	s3 =	sld [smem:$0x3FFC];
	_ =	sdelay $0x3  }
0x94: {  	_ =	strace s3  }
0x95: {  	s3 =	sld [smem:$0x3FFD];
	_ =	sdelay $0x3  }
0x96: {  	_ =	strace s3  }
0x97: {  	_ =	strace $0x8FFFFFFF  }
0x98: {  	s19 =	sld [smem:$0x3FDB];
	_ =	sdelay $0x1  }
0x99: {  	s4 =	simm.s32 $_scs_section_size  }
0x9a: {  	s5 =	simm.s32 $_size__tile_overlayer_lowered;
	s6 =	simm.s32 $_tile_overlayer_lowered  }
0x9b: {  	s22 =	simm.s32 $0x1BFF;
	s21 =	sshll.u32 s6, $0x1;
	s3 =	sadd.s32 s4, s19  }
0x9c: {  	s7 =	simm.s32 $0x0;
	s20 =	sshll.u32 s5, $0x1;
	s5 =	sadd.s32 s21, s3  }
0x9d: {  	[timem:s7], [sflag:s22] =	dma.local [hbm:s5], s20  }
0x9e: {  	_ =	swait.ge [sflag:s22], s20  }
0x9f: {  	s4 =	ssub.s32 $0x0, s20;
	[sflag:s22] =	ssyncset.done $0x0  }
0xa0: {  	[sflag:s22] =	ssyncadd.s32 s4;
	_ =	sdelay $0x1  }
0xa1: {  	s23 =	simm.s32 $0x1B8B  }
0xa2: {  	_ =	swait.ge [sflag:s23], $0x1  }
0xa3: {  	[sflag:s23] =	ssyncset.done $0x0  }
0xa4: {  	s25 =	simm.s32 $0x1B8E;
	s24 =	sld [smem:$0x3FFE];
	[sflag:s23] =	ssyncadd.s32 $0xFFFFFFFF  }
0xa5: {  	s26 =	simm.s32 $execute0_lowered;
	[smem:$0x3FD2] =	sst s25  }
0xa6: {  	s5 =	sshll.u32 s26, $0x1;
	_ =	strace $0x80000049;
	[dreg:$0x1] =	wrdreg $0xFFFFFFFF  }
0xa7: {  	s28 =	simm.s32 $_size_execute0_lowered;
	s3 =	sadd.s32 s3, s5;
	[dreg:$0x0] =	wrdreg $0x0  }
0xa8: {  	s5 =	sshll.u32 s28, $0x1;
	[dreg:$0x2] =	wrdreg s3  }
0xa9: {  	[dreg:$0x3] =	wrdreg s5  }
0xaa: {  	[dreg:$0x4] =	wrdreg $0xC0  }
0xab: {  	_ =	task [dreg:s7], $0x5FFFF  }
0xac: {  	[dreg:$0x1] =	wrdreg $0xFFFFFFFF  }
0xad: {  	[dreg:$0x0] =	wrdreg $0x60  }
0xae: {  	[dreg:$0x2] =	wrdreg s2  }
0xaf: {  	[dreg:$0x3] =	wrdreg s24  }
0xb0: {  	[dreg:$0x4] =	wrdreg $0x9A000  }
0xb1: {  	[dreg:$0x5] =	wrdreg $0x9  }
0xb2: {  	_ =	task.clear_ibuf [dreg:s7], $0x6FFFF;
	_ =	strace $0x90000049  }
0xb3: {  	s29 =	simm.s32 $0x9;
	_ =	strace $0x8000004B  }
0xb4: {  	_ =	swait.ge [sflag:s29], $0x1  }
0xb5: {  	[sflag:s29] =	ssyncadd.s32 $0xFFFFFFFF  }
0xb6: {  	_ =	strace $0x9000004B  }
0xb7: {  	_ =	sfence  }
0xb8: {  	s30 =	sld [smem:$0x0];
	_ =	sdelay $0x2  }
0xb9: {  	s31 =	sshll.u32 s1, $0xD;
	s1 =	sshrl.u32 s1, $0x2  }
0xba: {  	s3 =	sand.u32 $0x4000, s31;
	s1 =	sadd.s32 s1, s30  }
0xbb: {  	s0 =	sor.u32 s3, s0;
	s1 =	sshll.u32 s1, $0x11  }
0xbc: {  	s0 =	sor.u32 s1, s0  }
0xbd: {  	s0 =	sadd.s32 $0x8F2B, s0  }
0xbe: {  	[sflag:s0] =	ssyncadd.remote.s32 $0x1  }
0xbf: {  	_ =	sfence.sel $0xFFFF  }
0xc0: {  	[dreg:$0x0] =	wrdreg $0xFFFFFFFF;
	(pc) =	sbr.abs _section_cstart, $3  }
0xc1: {  	[dreg:$0x1] =	wrdreg $0xFFFFFFFF  }
0xc2: {  	_ =	task.clear_ibuf [dreg:s7], $0x2FFFF;
	_ =	strace $0x9FFFFFFF  }
0xc3: {  	(tm) =	ssettm $0x7FFFFFFF  }
tec
execute0_lowered:
.L_overlay_start_1:
0x0: {  	(tag) =	ssettag $0x1  }
0x1: {  	s2 =	rddreg [dreg:$0x0]  }
0x2: {  	s0 =	rddreg [dreg:$0x1]  }
0x3: {  	s3 =	rddreg [dreg:$0x2]  }
0x4: {  	s1 =	srdreg.scid;
	s4 =	stileid.u32  }
0x5: {  	s7 =	simm.s32 $0x0;
	s20 =	simm.s32 $0x1A00;
	s21 =	simm.s32 $0x3  }
0x6: {  	s22 =	simm.s32 $0x1;
	s23 =	simm.s32 $0x2;
	s28 =	simm.s32 $0x1980  }
0x7: {  	s29 =	simm.s32 $0x0;
	s1 =	sand.u32 $0x1, s1;
	s9 =	smul.u32 $0x13880, s4  }
0x8: {  	[smem:$0x7FF] =	sst s7;
	s8 =	smul.u32 $0x4E200, s4;
	s15 =	sshll.u32 s4, $0x4  }
0x9: {  	s14 =	sadd.s32 $0xC240, s0;
	s5 =	smul.u32 $0x138800, s1;
	s6 =	sshll.u32 s1, $0x4  }
0xa: {  	_ =	strace $0x8000004A;
	s1 =	ssub.s32 $0x2, s1;
	s25 =	sor.u32 s4, s6  }
0xb: {  	s26 =	sshrl.u32 s1, $0x1;
	s8 =	sshrl.u32 s8, $0x2;
	s5 =	sadd.s32 s9, s5  }
0xc: {  	s6 =	smul.u32 $0x2700, s25;
	s1 =	ssub.s32 s1, s26;
	s13 =	sadd.s32 s8, s3  }
0xd: {  	s9 =	sadd.s32 s9, s3;
	p0 =	sgt.u32 s25, $0x3;
	s26 =	simm.s32 $0x1900  }
0xe: {  	s24 =	sshrl.u32 s5, $0x3;
	s5 =	sadd.s32 $0x2600, s0;
	s10 =	sadd.s32 $0x3E80, s13  }
0xf: {  	s11 =	sadd.s32 $0x7D00, s13;
	s12 =	sadd.s32 $0xBB80, s13;
	s13 =	sadd.s32 $0xFA00, s13  }
0x10: {  	s18 =	smax.u32 s1, $0x1;
	s17 =	sadd.s32 s24, s0;
	s30 =	sshrl.u32 s6, $0x3  }
0x11: {  	s6 =	smul.u32 $0x4E, s25;
	s31 =	sadd.s32 s15, s5;
	s24 =	simm.s32 $0x80  }
0x12: {  	s25 =	simm.s32 $0x5A00;
	s7 =	sadd.s32 s5, s30;
	s15 =	sadd.s32 $0x9C00, s31  }
0x13: {  	v0 =	vimm.f32 $0.0e+00;
	s16 =	sadd.s32 $0x13840, s31;
	s17 =	sadd.s32 $0x16000, s17;
	s8 =	sadd.s32 $0x9C40, s7  }
.LBB2_1:
0x14: {  	s0 =	simm.s32 $0x0  }
0x15: {  	[tilespmem:s0], [sflag:$0x1] =	stream.linear.gather [hbm4b:s7+s0], $0xD00, $0x38;
	[tilespmem:$0x1D280] =	vst v63  }
0x16: {  	s1 =	simm.s32 $0xD00  }
0x17: {  	[tilespmem:s1], [sflag:$0x2] =	stream.linear.gather [hbm4b:s8+s0], $0xD00, $0x38;
	[tilespmem:$0x1D280] =	vst v63  }
0x18: {  	s30 =	simm.s32 $0x200;
	s0 =	simm.s32 $0x0  }
.LBB2_2:
0x19: {  	p1 =	sne.s32 s30, $0xFE00;
	[tilespmem:s0+$0x1A70] =	vst v0  }
0x1a: {  	[tilespmem:s0+$0x1A00] =	vst v0  }
0x1b: {  	[tilespmem:s0+$0x1A10] =	vst v0  }
.Ltmp0:
0x1c: {  	[tilespmem:s0+$0x1A20] =	vst v0;
	(pc) =	sbr.rel @p1 .LBB2_2-.Ltmp0, $4  }
0x1d: {  	[tilespmem:s0+$0x1A30] =	vst v0  }
0x1e: {  	[tilespmem:s0+$0x1A40] =	vst v0  }
0x1f: {  	[tilespmem:s0+$0x1A50] =	vst v0  }
0x20: {  	[tilespmem:s0+$0x1A60] =	vst v0;
	s0 =	sshra.s32 s30, $0x2;
	s30 =	sadd.s32 $0x200, s30  }
0x21: {  	[tilespmem:s0+$0x1A70] =	vst v0  }
0x22: {  	[tilespmem:s0+$0x1A00] =	vst v0  }
0x23: {  	[tilespmem:s0+$0x1A10] =	vst v0  }
0x24: {  	[tilespmem:s0+$0x1A20] =	vst v0  }
0x25: {  	[tilespmem:s0+$0x1A30] =	vst v0  }
0x26: {  	[tilespmem:s0+$0x1A40] =	vst v0  }
0x27: {  	[tilespmem:s0+$0x1A50] =	vst v0  }
0x28: {  	[tilespmem:s0+$0x1A60] =	vst v0  }
0x29: {  	[spmem:s9] =	stream.linear.scatter [tilespmem:s20], [sflag:$0x3], $0x3E80, $0x38;
	[tilespmem:$0x1D280] =	vst v63  }
0x2a: {  	_ =	swait.ge [sflag:s21], $0x3E80  }
0x2b: {  	[sflag:s21] =	ssyncset.done $0x0  }
0x2c: {  	[sflag:s21] =	ssyncadd.s32 $0xFFFFC180  }
0x2d: {  	[spmem:s10] =	stream.linear.scatter [tilespmem:s20], [sflag:$0x3], $0x3E80, $0x38;
	[tilespmem:$0x1D280] =	vst v63  }
0x2e: {  	_ =	swait.ge [sflag:s21], $0x3E80  }
0x2f: {  	[sflag:s21] =	ssyncset.done $0x0  }
0x30: {  	[sflag:s21] =	ssyncadd.s32 $0xFFFFC180  }
0x31: {  	[spmem:s11] =	stream.linear.scatter [tilespmem:s20], [sflag:$0x3], $0x3E80, $0x38;
	[tilespmem:$0x1D280] =	vst v63  }
0x32: {  	_ =	swait.ge [sflag:s21], $0x3E80  }
0x33: {  	[sflag:s21] =	ssyncset.done $0x0  }
0x34: {  	[sflag:s21] =	ssyncadd.s32 $0xFFFFC180  }
0x35: {  	[spmem:s12] =	stream.linear.scatter [tilespmem:s20], [sflag:$0x3], $0x3E80, $0x38;
	[tilespmem:$0x1D280] =	vst v63  }
0x36: {  	_ =	swait.ge [sflag:s21], $0x3E80  }
0x37: {  	[sflag:s21] =	ssyncset.done $0x0  }
0x38: {  	[sflag:s21] =	ssyncadd.s32 $0xFFFFC180  }
0x39: {  	[spmem:s13] =	stream.linear.scatter [tilespmem:s20], [sflag:$0x3], $0x3E80, $0x38;
	[tilespmem:$0x1D280] =	vst v63  }
0x3a: {  	_ =	swait.ge [sflag:s21], $0x3E80  }
0x3b: {  	[sflag:s21] =	ssyncset.done $0x0  }
0x3c: {  	[sflag:s21] =	ssyncadd.s32 $0xFFFFC180  }
0x3d: {  	_ =	swait.ge [sflag:s22], $0xD00  }
0x3e: {  	[sflag:s22] =	ssyncset.done $0x0  }
0x3f: {  	[sflag:s22] =	ssyncadd.s32 $0xFFFFF300  }
0x40: {  	_ =	swait.ge [sflag:s23], $0xD00  }
0x41: {  	[sflag:s23] =	ssyncset.done $0x0  }
0x42: {  	[sflag:s23] =	ssyncadd.s32 $0xFFFFF300  }
0x43: {  	s30 =	simm.s32 $0x0;
	s31 =	simm.s32 $0x0;
	[bflag:$0x0] =	sbarrier.arrive $0xFFFF  }
.LBB2_4:
0x44: {  	p1 =	seq.s32 s31, $0x0  }
0x45: {  	s0 =	smul.u32 @!p1 $0x1A, s31;
	_ =	sdelay $0x1  }
0x46: {  	s0 =	sadd.s32 @!p1 s6, s0  }
0x47: {  	s0 =	sshll.u32 @!p1 s0, $0x4  }
0x48: {  	s19 =	simm.s32 @!p1 $0x0;
	s1 =	sadd.s32 @!p1 s5, s0  }
0x49: {  	[tilespmem:s19], [sflag:$0x3] =	stream.linear.gather @!p1 [hbm4b:s1+s19], $0xD00, $0x38;
	[tilespmem:$0x1D280] =	vst v63  }
0x4a: {  	s1 =	simm.s32 @!p1 $0x3  }
0x4b: {  	_ =	swait.ge @!p1 [sflag:s1], $0xD00  }
0x4c: {  	[sflag:s1] =	ssyncset.done @!p1 $0x0  }
0x4d: {  	s4 =	simm.s32 @!p1 $0xD00;
	s0 =	sadd.s32 @!p1 s0, s14;
	[sflag:s1] =	ssyncadd.s32 @!p1 $0xFFFFF300  }
0x4e: {  	[tilespmem:s4], [sflag:$0x3] =	stream.linear.gather @!p1 [hbm4b:s0+s19], $0xD00, $0x38;
	[tilespmem:$0x1D280] =	vst v63  }
0x4f: {  	_ =	swait.ge @!p1 [sflag:s1], $0xD00  }
0x50: {  	[sflag:s1] =	ssyncset.done @!p1 $0x0  }
0x51: {  	[sflag:s1] =	ssyncadd.s32 @!p1 $0xFFFFF300  }
0x52: {  	[tilespmem:s20], [sflag:$0x1] =	stream.indirect.gather [hbm4b:s2+s24], $0x80, s30, s24, $0xb8;
	[tilespmem:$0x1D280] =	vst v63  }
0x53: {  	_ = 	snop  }
0x54: {  	[tilespmem:s25], [sflag:$0x2] =	stream.indirect.gather [hbm4b:s2+s24], $0x80, s24, s24, $0xb8;
	[tilespmem:$0x1D280] =	vst v63  }
0x55: {  	_ =	swait.ge [sflag:s22], $0x4000  }
0x56: {  	[sflag:s22] =	ssyncset.done $0x0  }
0x57: {  	s1 =	simm.s32 $0xD00;
	[sflag:s22] =	ssyncadd.s32 $0xFFFFC000  }
0x58: {  	[spmem:s3] =	stream.indirect.scatter.add.f32 [tilespmem:s20], [sflag:$0x3], $0x80, s1, s24, $0xb8;
	[tilespmem:$0x1D280] =	vst v63  }
0x59: {  	_ =	swait.ge [sflag:s21], $0x4000  }
0x5a: {  	[sflag:s21] =	ssyncset.done $0x0  }
0x5b: {  	s4 =	simm.s32 $0x100;
	[sflag:s21] =	ssyncadd.s32 $0xFFFFC000  }
0x5c: {  	[tilespmem:s20], [sflag:$0x1] =	stream.indirect.gather [hbm4b:s2+s24], $0x80, s4, s24, $0xb8;
	[tilespmem:$0x1D280] =	vst v63  }
0x5d: {  	_ =	swait.ge [sflag:s23], $0x4000  }
0x5e: {  	[sflag:s23] =	ssyncset.done $0x0  }
0x5f: {  	s19 =	simm.s32 $0xD80;
	[sflag:s23] =	ssyncadd.s32 $0xFFFFC000  }
0x60: {  	[spmem:s3] =	stream.indirect.scatter.add.f32 [tilespmem:s25], [sflag:$0x3], $0x80, s19, s24, $0xb8;
	[tilespmem:$0x1D280] =	vst v63  }
0x61: {  	_ =	swait.ge [sflag:s21], $0x4000  }
0x62: {  	[sflag:s21] =	ssyncset.done $0x0  }
0x63: {  	s0 =	simm.s32 $0x400;
	s1 =	simm.s32 $0x180;
	[sflag:s21] =	ssyncadd.s32 $0xFFFFC000  }
.LBB2_5:
0x64: {  	[tilespmem:s25], [sflag:$0x2] =	stream.indirect.gather [hbm4b:s2+s24], $0x80, s1, s24, $0xb8;
	[tilespmem:$0x1D280] =	vst v63  }
0x65: {  	s1 =	smov.u32 s0  }
0x66: {  	p1 =	sne.s32 s0, $0x2C00;
	s0 =	sadd.s32 $0x400, s0;
	_ =	swait.ge [sflag:s22], $0x4000  }
0x67: {  	s1 =	sshra.s32 s1, $0x2;
	[sflag:s22] =	ssyncset.done $0x0  }
0x68: {  	s4 =	sadd.s32 $0xD00, s1;
	[sflag:s22] =	ssyncadd.s32 $0xFFFFC000  }
0x69: {  	[spmem:s3] =	stream.indirect.scatter.add.f32 [tilespmem:s20], [sflag:$0x3], $0x80, s4, s24, $0xb8;
	[tilespmem:$0x1D280] =	vst v63  }
0x6a: {  	_ =	swait.ge [sflag:s21], $0x4000  }
0x6b: {  	[sflag:s21] =	ssyncset.done $0x0  }
0x6c: {  	s4 =	sadd.s32 $0x100, s1;
	[sflag:s21] =	ssyncadd.s32 $0xFFFFC000  }
0x6d: {  	[tilespmem:s20], [sflag:$0x1] =	stream.indirect.gather [hbm4b:s2+s24], $0x80, s4, s24, $0xb8;
	[tilespmem:$0x1D280] =	vst v63  }
0x6e: {  	_ =	swait.ge [sflag:s23], $0x4000  }
0x6f: {  	[sflag:s23] =	ssyncset.done $0x0  }
.Ltmp1:
0x70: {  	s4 =	sadd.s32 $0xD80, s1;
	[sflag:s23] =	ssyncadd.s32 $0xFFFFC000;
	(pc) =	sbr.rel @p1 .LBB2_5-.Ltmp1, $4  }
0x71: {  	[spmem:s3] =	stream.indirect.scatter.add.f32 [tilespmem:s25], [sflag:$0x3], $0x80, s4, s24, $0xb8;
	[tilespmem:$0x1D280] =	vst v63  }
0x72: {  	_ =	swait.ge [sflag:s21], $0x4000  }
0x73: {  	[sflag:s21] =	ssyncset.done $0x0  }
0x74: {  	s1 =	sadd.s32 $0x180, s1;
	[sflag:s21] =	ssyncadd.s32 $0xFFFFC000  }
0x75: {  	[tilespmem:s25], [sflag:$0x2] =	stream.indirect.gather [hbm4b:s2+s24], $0x80, s1, s24, $0xb8;
	[tilespmem:$0x1D280] =	vst v63  }
0x76: {  	_ =	swait.ge [sflag:s22], $0x4000  }
0x77: {  	[sflag:s22] =	ssyncset.done $0x0  }
0x78: {  	[sflag:s22] =	ssyncadd.s32 $0xFFFFC000  }
0x79: {  	[spmem:s3] =	stream.indirect.scatter.add.f32 [tilespmem:s20], [sflag:$0x3], $0x80, s26, s24, $0xb8;
	[tilespmem:$0x1D280] =	vst v63  }
0x7a: {  	_ =	swait.ge [sflag:s21], $0x4000  }
0x7b: {  	[sflag:s21] =	ssyncset.done $0x0  }
0x7c: {  	[sflag:s21] =	ssyncadd.s32 $0xFFFFC000  }
0x7d: {  	s31 =	sadd.s32 $0x1, s31;
	_ =	swait.ge [sflag:s23], $0x4000  }
0x7e: {  	p1 =	sne.s32 s31, $0x3;
	[sflag:s23] =	ssyncset.done $0x0  }
.Ltmp2:
0x7f: {  	[sflag:s23] =	ssyncadd.s32 $0xFFFFC000;
	(pc) =	sbr.rel @p1 .LBB2_4-.Ltmp2, $4  }
0x80: {  	[spmem:s3] =	stream.indirect.scatter.add.f32 [tilespmem:s25], [sflag:$0x3], $0x80, s28, s24, $0xb8;
	[tilespmem:$0x1D280] =	vst v63  }
0x81: {  	_ =	swait.ge [sflag:s21], $0x4000  }
0x82: {  	[sflag:s21] =	ssyncset.done $0x0  }
0x83: {  	[sflag:s21] =	ssyncadd.s32 $0xFFFFC000  }
0x84: {  	s0 =	simm.s32 @!p0 $0x0;
	s1 =	simm.s32 @!p0 $0x3  }
0x85: {  	[tilespmem:s0], [sflag:$0x3] =	stream.linear.gather @!p0 [hbm4b:s15+s0], $0x80, $0x38;
	[tilespmem:$0x1D280] =	vst v63  }
0x86: {  	_ =	swait.ge @!p0 [sflag:s1], $0x80  }
0x87: {  	[sflag:s1] =	ssyncset.done @!p0 $0x0  }
0x88: {  	s4 =	simm.s32 @!p0 $0xD00;
	[sflag:s1] =	ssyncadd.s32 @!p0 $0xFFFFFF80  }
0x89: {  	[tilespmem:s4], [sflag:$0x3] =	stream.linear.gather @!p0 [hbm4b:s16+s0], $0x80, $0x38;
	[tilespmem:$0x1D280] =	vst v63  }
0x8a: {  	_ =	swait.ge @!p0 [sflag:s1], $0x80  }
0x8b: {  	[sflag:s1] =	ssyncset.done @!p0 $0x0  }
0x8c: {  	s19 =	simm.s32 @!p0 $0x80;
	s30 =	simm.s32 @!p0 $0x1A00;
	[sflag:s1] =	ssyncadd.s32 @!p0 $0xFFFFFF80  }
0x8d: {  	[tilespmem:s30], [sflag:$0x1] =	stream.indirect.gather @!p0 [hbm4b:s2+s19], $0x80, s0, s19, $0xb8;
	[tilespmem:$0x1D280] =	vst v63  }
0x8e: {  	s0 =	simm.s32 @!p0 $0x1  }
0x8f: {  	_ =	swait.ge @!p0 [sflag:s0], $0x4000  }
0x90: {  	[sflag:s0] =	ssyncset.done @!p0 $0x0  }
0x91: {  	[sflag:s0] =	ssyncadd.s32 @!p0 $0xFFFFC000  }
0x92: {  	[spmem:s3] =	stream.indirect.scatter.add.f32 @!p0 [tilespmem:s30], [sflag:$0x3], $0x80, s4, s19, $0xb8;
	[tilespmem:$0x1D280] =	vst v63  }
0x93: {  	s31 =	sshrl.u32 s9, $0x3;
	_ =	swait.ge @!p0 [sflag:s1], $0x4000  }
0x94: {  	s29 =	sadd.s32 $0x1, s29;
	s30 =	stileid.u32;
	[sflag:s1] =	ssyncset.done @!p0 $0x0  }
0x95: {  	p1 =	sne.s32 s29, s18;
	s0 =	sshll.u32 s30, $0x6;
	[sflag:s1] =	ssyncadd.s32 @!p0 $0xFFFFC000  }
.Ltmp3:
0x96: {  	s0 =	sor.u32 $0x1C03, s0;
	[bflag:$0x0] =	sbarrier.arrive $0xFFFF;
	(pc) =	sbr.rel @p1 .LBB2_1-.Ltmp3, $4  }
0x97: {  	[hbm:s17], [sflag:s0] =	dma.local [spmem:s31], $0x2710  }
0x98: {  	_ =	swait.ge [sflag:s21], $0x2710  }
0x99: {  	[sflag:s21] =	ssyncset.done $0x0  }
0x9a: {  	[sflag:s21] =	ssyncadd.s32 $0xFFFFD8F0  }
0x9b: {  	_ =	sfence.sel $0x180000  }
0x9c: {  	[bflag:$0x0] =	sbarrier.arrive $0xFFFF  }
0x9d: {  	_ =	strace $0x9000004A  }
0x9e: {  	s0 =	stileid.u32;
	[bflag:$0x2] =	sbarrier.arrive $0xFFFF  }
0x9f: {  	p0 =	sne.s32 s0, $0x0;
	s0 =	rddreg [dreg:$0x3]  }
0xa0: {  	s0 =	sadd.s32 @!p0 $0x100000, s0  }
0xa1: {  	[sflag:s0] =	ssyncadd.tile.s32 @!p0 $0x1;
	_ =	shalt  }
.Lfunc_end2:
_tile_overlayer_lowered:
.L_overlay_start_2:
0xa2: {  	(tag) =	ssettag $0x2  }
0xa3: {  	s0 =	rddreg [dreg:$0x0];
	s2 =	stileid.u32  }
0xa4: {  	s1 =	rddreg [dreg:$0x1];
	p0 =	sne.s32 s2, $0x0  }
0xa5: {  	s3 =	rddreg [dreg:$0x2];
	[bflag:$0x3] =	sbarrier.arrive $0xFFFF;
	s2 =	simm.s32 @!p0 $0x1C03  }
0xa6: {  	[timem:s3], [sflag:s2] =	dma.local @!p0 [hbm:s0], s1  }
0xa7: {  	s0 =	simm.s32 @!p0 $0x3  }
0xa8: {  	_ =	swait.ge @!p0 [sflag:s0], s1  }
0xa9: {  	s1 =	ssub.s32 @!p0 $0x0, s1;
	[sflag:s0] =	ssyncset.done @!p0 $0x0  }
0xaa: {  	[sflag:s0] =	ssyncadd.s32 @!p0 s1  }
0xab: {  	[bflag:$0x3] =	sbarrier.arrive $0xFFFF  }
0xac: {  	_ =	shalt  }

// kernel: kernel.7.cloned.1.call-start
scs
__scs_entry_jumppad:
0x0: {  	(pc) =	sbr.rel $0x88, $3  }
0x1: {  	(tag) =	ssettag $0x0;
	lr =	simm.s32 $0x1  }
0x2: {  	[smem:$0x3F94] =	sst lr;
	_ =	strace $0xD0000000  }
0x3: {  	_ = 	snop  }
0x4: {  	_ = 	snop  }
0x5: {  	_ = 	snop  }
0x6: {  	_ = 	snop  }
0x7: {  	_ = 	snop  }
__scs_overlays_trampoline_lowered:
0x8: {  	[smem:$0x3FA3] =	sst s0  }
0x9: {  	[smem:$0x3FA4] =	sst s1  }
0xa: {  	[smem:$0x3FA5] =	sst s2  }
0xb: {  	[smem:$0x3FA6] =	sst s3  }
0xc: {  	[smem:$0x3FA7] =	sst s4  }
0xd: {  	[smem:$0x3FA8] =	sst s5  }
0xe: {  	[smem:$0x3FA9] =	sst s6  }
0xf: {  	[smem:$0x3FAA] =	sst s7  }
0x10: {  	[smem:$0x3FAB] =	sst s8  }
0x11: {  	[smem:$0x3FAC] =	sst s9;
	s0 =	simm.s32 @!p0 $0x0  }
0x12: {  	s1 =	sld [smem:$0x3F92];
	s0 =	simm.s32 @p0 $0x1  }
0x13: {  	[smem:$0x3FAD] =	sst s0;
	s0 =	simm.s32 @!p1 $0x0  }
0x14: {  	s2 =	sld [smem:$0x3F91];
	s0 =	simm.s32 @p1 $0x1  }
0x15: {  	[smem:$0x3FAE] =	sst s0;
	s0 =	simm.s32 @!p2 $0x0  }
0x16: {  	s3 =	sld [smem:$0x3FDB];
	s0 =	simm.s32 @p2 $0x1  }
0x17: {  	s4 =	simm.s32 $0x1BF5;
	[smem:$0x3FB0] =	sst s0  }
0x18: {  	s0 =	sld [smem:$0x3F93];
	_ =	swait.ge [sflag:s4], $0x0  }
0x19: {  	s7 =	sld [smem:$0x3F94]  }
0x1a: {  	s8 =	sadd.s32 $0xFFFFE003, lr  }
0x1b: {  	s9 =	sadd.s32 $0xFFFFFEF7, lr;
	s5 =	simm.s32 $0xFFFFFFFF;
	p2 =	slt.u32 s8, $0xFFFFF086  }
0x1c: {  	p1 =	slt.u32 s9, $0xF7A;
	s5 =	simm.s32 @!p2 $0x0  }
0x1d: {  	s5 =	simm.s32 @p1 $0x1;
	p0 =	seq.s32 s7, s2  }
0x1e: {  	s7 =	smul.u32 @!p0 $0xF7A, s2;
	p2 =	seq.s32 @!p0 s5, $0x0  }
0x1f: {  	s9 =	smul.u32 $0xF7A, s1;
	s8 =	simm.s32 @!p0 $0x1BF5;
	p2 =	por !p2, p0  }
0x20: {  	[sflag:s8] =	ssyncset.s32 @!p0 $0xFFFFF086;
	s6 =	sadd.s32 @!p0 s3, s7;
	s7 =	simm.s32 @!p0 $0x108  }
0x21: {  	s3 =	sadd.s32 s3, s9;
	s6 =	sadd.s32 @!p0 $0x88, s6;
	s7 =	simm.s32 @p2 $0x1082  }
0x22: {  	[simem:s7], [sflag:s8] =	dma.local @!p0 [hbm:s6], $0xF7A  }
0x23: {  	s9 =	sor.u32 $0xD0000000, s2;
	s6 =	simm.s32 $0x108;
	_ =	swait.ge @!p0 [sflag:s8], $0x0  }
0x24: {  	s3 =	sadd.s32 $0x88, s3;
	s6 =	simm.s32 @!p1 $0x1082;
	[sflag:s4] =	ssyncset.s32 $0xFFFFF086  }
0x25: {  	[simem:s6], [sflag:s4] =	dma.local [hbm:s3], $0xF7A  }
0x26: {  	[smem:$0x3F94] =	sst s1;
	(tag) =	ssettag s2;
	_ =	strace s9  }
0x27: {  	s1 =	sld [smem:$0x3FA4]  }
0x28: {  	s2 =	sld [smem:$0x3FA5]  }
0x29: {  	s4 =	sld [smem:$0x3FA7]  }
0x2a: {  	p0 =	seq.s32 s5, $0x0;
	s5 =	sld [smem:$0x3FA8]  }
0x2b: {  	s6 =	sld [smem:$0x3FA9]  }
0x2c: {  	s7 =	sld [smem:$0x3FAA]  }
0x2d: {  	s3 =	simm.s32 $0x108;
	s8 =	sld [smem:$0x3FAB]  }
0x2e: {  	s3 =	simm.s32 @!p0 $0x1082;
	s9 =	sld [smem:$0x3FAC]  }
0x2f: {  	lr =	sadd.s32 s0, s3;
	s0 =	sld [smem:$0x3FA3]  }
0x30: {  	s3 =	sld [smem:$0x3FA6]  }
0x31: {  	[smem:$0x3FAF] =	sst s10  }
0x32: {  	s10 =	sld [smem:$0x3FAD];
	_ =	sdelay $0x3  }
0x33: {  	p0 =	seq.s32 s10, $0x1;
	s10 =	sld [smem:$0x3FAF];
	_ =	sdelay $0x3  }
0x34: {  	[smem:$0x3FAF] =	sst s10  }
0x35: {  	s10 =	sld [smem:$0x3FAE];
	_ =	sdelay $0x3  }
0x36: {  	p1 =	seq.s32 s10, $0x1;
	s10 =	sld [smem:$0x3FAF];
	_ =	sdelay $0x3  }
0x37: {  	[smem:$0x3FAF] =	sst s10  }
0x38: {  	s10 =	sld [smem:$0x3FB0]  }
0x39: {  	_ = 	snop;
	(pc) =	sbr.ind lr, $3  }
0x3a: {  	_ = 	snop  }
0x3b: {  	_ = 	snop  }
0x3c: {  	p2 =	seq.s32 s10, $0x1;
	s10 =	sld [smem:$0x3FAF]  }
0x3d: {  	_ =	shalt  }
0x3e: {  	_ =	shalt  }
0x3f: {  	_ =	shalt  }
0x40: {  	_ =	shalt  }
0x41: {  	_ =	shalt  }
0x42: {  	_ =	shalt  }
0x43: {  	_ =	shalt  }
0x44: {  	_ =	shalt  }
0x45: {  	_ =	shalt  }
0x46: {  	_ =	shalt  }
0x47: {  	_ =	shalt  }
0x48: {  	_ =	shalt  }
0x49: {  	_ =	shalt  }
0x4a: {  	_ =	shalt  }
0x4b: {  	_ =	shalt  }
0x4c: {  	_ =	shalt  }
0x4d: {  	_ =	shalt  }
0x4e: {  	_ =	shalt  }
0x4f: {  	_ =	shalt  }
0x50: {  	_ =	shalt  }
0x51: {  	_ =	shalt  }
0x52: {  	_ =	shalt  }
0x53: {  	_ =	shalt  }
0x54: {  	_ =	shalt  }
0x55: {  	_ =	shalt  }
0x56: {  	_ =	shalt  }
0x57: {  	_ =	shalt  }
0x58: {  	_ =	shalt  }
0x59: {  	_ =	shalt  }
0x5a: {  	_ =	shalt  }
0x5b: {  	_ =	shalt  }
0x5c: {  	_ =	shalt  }
0x5d: {  	_ =	shalt  }
0x5e: {  	_ =	shalt  }
0x5f: {  	_ =	shalt  }
0x60: {  	_ =	shalt  }
0x61: {  	_ =	shalt  }
0x62: {  	_ =	shalt  }
0x63: {  	_ =	shalt  }
0x64: {  	_ =	shalt  }
0x65: {  	_ =	shalt  }
0x66: {  	_ =	shalt  }
0x67: {  	_ =	shalt  }
0x68: {  	_ =	shalt  }
0x69: {  	_ =	shalt  }
0x6a: {  	_ =	shalt  }
0x6b: {  	_ =	shalt  }
0x6c: {  	_ =	shalt  }
0x6d: {  	_ =	shalt  }
0x6e: {  	_ =	shalt  }
0x6f: {  	_ =	shalt  }
0x70: {  	_ =	shalt  }
0x71: {  	_ =	shalt  }
0x72: {  	_ =	shalt  }
0x73: {  	_ =	shalt  }
0x74: {  	_ =	shalt  }
0x75: {  	_ =	shalt  }
0x76: {  	_ =	shalt  }
0x77: {  	_ =	shalt  }
0x78: {  	_ =	shalt  }
0x79: {  	_ =	shalt  }
0x7a: {  	_ =	shalt  }
0x7b: {  	_ =	shalt  }
0x7c: {  	_ =	shalt  }
0x7d: {  	_ =	shalt  }
0x7e: {  	_ =	shalt  }
0x7f: {  	_ =	shalt  }
0x80: {  	_ =	shalt  }
0x81: {  	_ =	shalt  }
0x82: {  	_ =	shalt  }
0x83: {  	_ =	shalt  }
0x84: {  	_ =	shalt  }
0x85: {  	_ =	shalt  }
0x86: {  	_ =	shalt  }
0x87: {  	_ =	shalt  }
.Lfunc_end0:
.L_simem_size_0:
called_computation_lowered:
.L_overlay_start_0:
0x88: {  	s2 =	sld [smem:$0x3FD9]  }
0x89: {  	s3 =	sld [smem:$0x3FFE];
	_ =	sdelay $0x1  }
0x8a: {  	s1 =	srdreg.scid  }
0x8b: {  	s0 =	sand.u32 $0x1, s1  }
0x8c: {  	s17 =	sshll.u32 s0, $0xA;
	s2 =	sadd.s32 s3, s2  }
0x8d: {  	s2 =	sadd.s32 s2, s17  }
0x8e: {  	[smem:$0x3FBB] =	sst s2  }
0x8f: {  	_ = 	snop  }
0x90: {  	s2 =	sld [smem:$0x3FD0];
	(tm) =	ssettm $0x1  }
0x91: {  	s18 =	sld [smem:$0x3FFB];
	_ =	sdelay $0x3  }
0x92: {  	_ =	strace s18  }
0x93: {  	s3 =	sld [smem:$0x3FFC];
	_ =	sdelay $0x3  }
0x94: {  	_ =	strace s3  }
0x95: {  	s3 =	sld [smem:$0x3FFD];
	_ =	sdelay $0x3  }
0x96: {  	_ =	strace s3  }
0x97: {  	_ =	strace $0x8FFFFFFF  }
0x98: {  	s19 =	sld [smem:$0x3FDB];
	_ =	sdelay $0x1  }
0x99: {  	s4 =	simm.s32 $_scs_section_size  }
0x9a: {  	s5 =	simm.s32 $_size__tile_overlayer_lowered;
	s6 =	simm.s32 $_tile_overlayer_lowered  }
0x9b: {  	s22 =	simm.s32 $0x1BFF;
	s21 =	sshll.u32 s6, $0x1;
	s3 =	sadd.s32 s4, s19  }
0x9c: {  	s7 =	simm.s32 $0x0;
	s20 =	sshll.u32 s5, $0x1;
	s5 =	sadd.s32 s21, s3  }
0x9d: {  	[timem:s7], [sflag:s22] =	dma.local [hbm:s5], s20  }
0x9e: {  	_ =	swait.ge [sflag:s22], s20  }
0x9f: {  	s4 =	ssub.s32 $0x0, s20;
	[sflag:s22] =	ssyncset.done $0x0  }
0xa0: {  	[sflag:s22] =	ssyncadd.s32 s4;
	_ =	sdelay $0x1  }
0xa1: {  	s23 =	simm.s32 $0x1B8B  }
0xa2: {  	_ =	swait.ge [sflag:s23], $0x1  }
0xa3: {  	[sflag:s23] =	ssyncset.done $0x0  }
0xa4: {  	s25 =	simm.s32 $0x1B8E;
	s24 =	sld [smem:$0x3FFE];
	[sflag:s23] =	ssyncadd.s32 $0xFFFFFFFF  }
0xa5: {  	s26 =	simm.s32 $execute0_lowered;
	[smem:$0x3FD2] =	sst s25  }
0xa6: {  	s5 =	sshll.u32 s26, $0x1;
	_ =	strace $0x80000046;
	[dreg:$0x1] =	wrdreg $0xFFFFFFFF  }
0xa7: {  	s28 =	simm.s32 $_size_execute0_lowered;
	s3 =	sadd.s32 s3, s5;
	[dreg:$0x0] =	wrdreg $0x0  }
0xa8: {  	s5 =	sshll.u32 s28, $0x1;
	[dreg:$0x2] =	wrdreg s3  }
0xa9: {  	[dreg:$0x3] =	wrdreg s5  }
0xaa: {  	[dreg:$0x4] =	wrdreg $0xC0  }
0xab: {  	_ =	task [dreg:s7], $0x5FFFF  }
0xac: {  	[dreg:$0x1] =	wrdreg $0xFFFFFFFF  }
0xad: {  	[dreg:$0x0] =	wrdreg $0x60  }
0xae: {  	[dreg:$0x2] =	wrdreg s2  }
0xaf: {  	[dreg:$0x3] =	wrdreg s24  }
0xb0: {  	[dreg:$0x4] =	wrdreg $0x9A000  }
0xb1: {  	[dreg:$0x5] =	wrdreg $0x9  }
0xb2: {  	_ =	task.clear_ibuf [dreg:s7], $0x6FFFF;
	_ =	strace $0x90000046  }
0xb3: {  	s29 =	simm.s32 $0x9;
	_ =	strace $0x80000048  }
0xb4: {  	_ =	swait.ge [sflag:s29], $0x1  }
0xb5: {  	[sflag:s29] =	ssyncadd.s32 $0xFFFFFFFF  }
0xb6: {  	_ =	strace $0x90000048  }
0xb7: {  	_ =	sfence  }
0xb8: {  	s30 =	sld [smem:$0x0];
	_ =	sdelay $0x2  }
0xb9: {  	s31 =	sshll.u32 s1, $0xD;
	s1 =	sshrl.u32 s1, $0x2  }
0xba: {  	s3 =	sand.u32 $0x4000, s31;
	s1 =	sadd.s32 s1, s30  }
0xbb: {  	s0 =	sor.u32 s3, s0;
	s1 =	sshll.u32 s1, $0x11  }
0xbc: {  	s0 =	sor.u32 s1, s0  }
0xbd: {  	s0 =	sadd.s32 $0x8F2B, s0  }
0xbe: {  	[sflag:s0] =	ssyncadd.remote.s32 $0x1  }
0xbf: {  	_ =	sfence.sel $0xFFFF  }
0xc0: {  	[dreg:$0x0] =	wrdreg $0xFFFFFFFF;
	(pc) =	sbr.abs _section_cstart, $3  }
0xc1: {  	[dreg:$0x1] =	wrdreg $0xFFFFFFFF  }
0xc2: {  	_ =	task.clear_ibuf [dreg:s7], $0x2FFFF;
	_ =	strace $0x9FFFFFFF  }
0xc3: {  	(tm) =	ssettm $0x7FFFFFFF  }
tec
execute0_lowered:
.L_overlay_start_1:
0x0: {  	(tag) =	ssettag $0x1  }
0x1: {  	s2 =	rddreg [dreg:$0x0]  }
0x2: {  	s0 =	rddreg [dreg:$0x1]  }
0x3: {  	s3 =	rddreg [dreg:$0x2]  }
0x4: {  	s1 =	srdreg.scid;
	s4 =	stileid.u32  }
0x5: {  	s7 =	simm.s32 $0x0;
	s20 =	simm.s32 $0x1A00;
	s21 =	simm.s32 $0x3  }
0x6: {  	s22 =	simm.s32 $0x1;
	s23 =	simm.s32 $0x2;
	s28 =	simm.s32 $0x1980  }
0x7: {  	s29 =	simm.s32 $0x0;
	s1 =	sand.u32 $0x1, s1;
	s9 =	smul.u32 $0x13880, s4  }
0x8: {  	[smem:$0x7FF] =	sst s7;
	s8 =	smul.u32 $0x4E200, s4;
	s15 =	sshll.u32 s4, $0x4  }
0x9: {  	s14 =	sadd.s32 $0xC240, s0;
	s5 =	smul.u32 $0x138800, s1;
	s6 =	sshll.u32 s1, $0x4  }
0xa: {  	_ =	strace $0x80000047;
	s1 =	ssub.s32 $0x2, s1;
	s25 =	sor.u32 s4, s6  }
0xb: {  	s26 =	sshrl.u32 s1, $0x1;
	s8 =	sshrl.u32 s8, $0x2;
	s5 =	sadd.s32 s9, s5  }
0xc: {  	s6 =	smul.u32 $0x2700, s25;
	s1 =	ssub.s32 s1, s26;
	s13 =	sadd.s32 s8, s3  }
0xd: {  	s9 =	sadd.s32 s9, s3;
	p0 =	sgt.u32 s25, $0x3;
	s26 =	simm.s32 $0x1900  }
0xe: {  	s24 =	sshrl.u32 s5, $0x3;
	s5 =	sadd.s32 $0x2600, s0;
	s10 =	sadd.s32 $0x3E80, s13  }
0xf: {  	s11 =	sadd.s32 $0x7D00, s13;
	s12 =	sadd.s32 $0xBB80, s13;
	s13 =	sadd.s32 $0xFA00, s13  }
0x10: {  	s18 =	smax.u32 s1, $0x1;
	s17 =	sadd.s32 s24, s0;
	s30 =	sshrl.u32 s6, $0x3  }
0x11: {  	s6 =	smul.u32 $0x4E, s25;
	s31 =	sadd.s32 s15, s5;
	s24 =	simm.s32 $0x80  }
0x12: {  	s25 =	simm.s32 $0x5A00;
	s7 =	sadd.s32 s5, s30;
	s15 =	sadd.s32 $0x9C00, s31  }
0x13: {  	v0 =	vimm.f32 $0.0e+00;
	s16 =	sadd.s32 $0x13840, s31;
	s17 =	sadd.s32 $0x16000, s17;
	s8 =	sadd.s32 $0x9C40, s7  }
.LBB2_1:
0x14: {  	s0 =	simm.s32 $0x0  }
0x15: {  	[tilespmem:s0], [sflag:$0x1] =	stream.linear.gather [hbm4b:s7+s0], $0xD00, $0x38;
	[tilespmem:$0x1D280] =	vst v63  }
0x16: {  	s1 =	simm.s32 $0xD00  }
0x17: {  	[tilespmem:s1], [sflag:$0x2] =	stream.linear.gather [hbm4b:s8+s0], $0xD00, $0x38;
	[tilespmem:$0x1D280] =	vst v63  }
0x18: {  	s30 =	simm.s32 $0x200;
	s0 =	simm.s32 $0x0  }
.LBB2_2:
0x19: {  	p1 =	sne.s32 s30, $0xFE00;
	[tilespmem:s0+$0x1A70] =	vst v0  }
0x1a: {  	[tilespmem:s0+$0x1A00] =	vst v0  }
0x1b: {  	[tilespmem:s0+$0x1A10] =	vst v0  }
.Ltmp0:
0x1c: {  	[tilespmem:s0+$0x1A20] =	vst v0;
	(pc) =	sbr.rel @p1 .LBB2_2-.Ltmp0, $4  }
0x1d: {  	[tilespmem:s0+$0x1A30] =	vst v0  }
0x1e: {  	[tilespmem:s0+$0x1A40] =	vst v0  }
0x1f: {  	[tilespmem:s0+$0x1A50] =	vst v0  }
0x20: {  	[tilespmem:s0+$0x1A60] =	vst v0;
	s0 =	sshra.s32 s30, $0x2;
	s30 =	sadd.s32 $0x200, s30  }
0x21: {  	[tilespmem:s0+$0x1A70] =	vst v0  }
0x22: {  	[tilespmem:s0+$0x1A00] =	vst v0  }
0x23: {  	[tilespmem:s0+$0x1A10] =	vst v0  }
0x24: {  	[tilespmem:s0+$0x1A20] =	vst v0  }
0x25: {  	[tilespmem:s0+$0x1A30] =	vst v0  }
0x26: {  	[tilespmem:s0+$0x1A40] =	vst v0  }
0x27: {  	[tilespmem:s0+$0x1A50] =	vst v0  }
0x28: {  	[tilespmem:s0+$0x1A60] =	vst v0  }
0x29: {  	[spmem:s9] =	stream.linear.scatter [tilespmem:s20], [sflag:$0x3], $0x3E80, $0x38;
	[tilespmem:$0x1D280] =	vst v63  }
0x2a: {  	_ =	swait.ge [sflag:s21], $0x3E80  }
0x2b: {  	[sflag:s21] =	ssyncset.done $0x0  }
0x2c: {  	[sflag:s21] =	ssyncadd.s32 $0xFFFFC180  }
0x2d: {  	[spmem:s10] =	stream.linear.scatter [tilespmem:s20], [sflag:$0x3], $0x3E80, $0x38;
	[tilespmem:$0x1D280] =	vst v63  }
0x2e: {  	_ =	swait.ge [sflag:s21], $0x3E80  }
0x2f: {  	[sflag:s21] =	ssyncset.done $0x0  }
0x30: {  	[sflag:s21] =	ssyncadd.s32 $0xFFFFC180  }
0x31: {  	[spmem:s11] =	stream.linear.scatter [tilespmem:s20], [sflag:$0x3], $0x3E80, $0x38;
	[tilespmem:$0x1D280] =	vst v63  }
0x32: {  	_ =	swait.ge [sflag:s21], $0x3E80  }
0x33: {  	[sflag:s21] =	ssyncset.done $0x0  }
0x34: {  	[sflag:s21] =	ssyncadd.s32 $0xFFFFC180  }
0x35: {  	[spmem:s12] =	stream.linear.scatter [tilespmem:s20], [sflag:$0x3], $0x3E80, $0x38;
	[tilespmem:$0x1D280] =	vst v63  }
0x36: {  	_ =	swait.ge [sflag:s21], $0x3E80  }
0x37: {  	[sflag:s21] =	ssyncset.done $0x0  }
0x38: {  	[sflag:s21] =	ssyncadd.s32 $0xFFFFC180  }
0x39: {  	[spmem:s13] =	stream.linear.scatter [tilespmem:s20], [sflag:$0x3], $0x3E80, $0x38;
	[tilespmem:$0x1D280] =	vst v63  }
0x3a: {  	_ =	swait.ge [sflag:s21], $0x3E80  }
0x3b: {  	[sflag:s21] =	ssyncset.done $0x0  }
0x3c: {  	[sflag:s21] =	ssyncadd.s32 $0xFFFFC180  }
0x3d: {  	_ =	swait.ge [sflag:s22], $0xD00  }
0x3e: {  	[sflag:s22] =	ssyncset.done $0x0  }
0x3f: {  	[sflag:s22] =	ssyncadd.s32 $0xFFFFF300  }
0x40: {  	_ =	swait.ge [sflag:s23], $0xD00  }
0x41: {  	[sflag:s23] =	ssyncset.done $0x0  }
0x42: {  	[sflag:s23] =	ssyncadd.s32 $0xFFFFF300  }
0x43: {  	s30 =	simm.s32 $0x0;
	s31 =	simm.s32 $0x0;
	[bflag:$0x0] =	sbarrier.arrive $0xFFFF  }
.LBB2_4:
0x44: {  	p1 =	seq.s32 s31, $0x0  }
0x45: {  	s0 =	smul.u32 @!p1 $0x1A, s31;
	_ =	sdelay $0x1  }
0x46: {  	s0 =	sadd.s32 @!p1 s6, s0  }
0x47: {  	s0 =	sshll.u32 @!p1 s0, $0x4  }
0x48: {  	s19 =	simm.s32 @!p1 $0x0;
	s1 =	sadd.s32 @!p1 s5, s0  }
0x49: {  	[tilespmem:s19], [sflag:$0x3] =	stream.linear.gather @!p1 [hbm4b:s1+s19], $0xD00, $0x38;
	[tilespmem:$0x1D280] =	vst v63  }
0x4a: {  	s1 =	simm.s32 @!p1 $0x3  }
0x4b: {  	_ =	swait.ge @!p1 [sflag:s1], $0xD00  }
0x4c: {  	[sflag:s1] =	ssyncset.done @!p1 $0x0  }
0x4d: {  	s4 =	simm.s32 @!p1 $0xD00;
	s0 =	sadd.s32 @!p1 s0, s14;
	[sflag:s1] =	ssyncadd.s32 @!p1 $0xFFFFF300  }
0x4e: {  	[tilespmem:s4], [sflag:$0x3] =	stream.linear.gather @!p1 [hbm4b:s0+s19], $0xD00, $0x38;
	[tilespmem:$0x1D280] =	vst v63  }
0x4f: {  	_ =	swait.ge @!p1 [sflag:s1], $0xD00  }
0x50: {  	[sflag:s1] =	ssyncset.done @!p1 $0x0  }
0x51: {  	[sflag:s1] =	ssyncadd.s32 @!p1 $0xFFFFF300  }
0x52: {  	[tilespmem:s20], [sflag:$0x1] =	stream.indirect.gather [hbm4b:s2+s24], $0x80, s30, s24, $0xb8;
	[tilespmem:$0x1D280] =	vst v63  }
0x53: {  	_ = 	snop  }
0x54: {  	[tilespmem:s25], [sflag:$0x2] =	stream.indirect.gather [hbm4b:s2+s24], $0x80, s24, s24, $0xb8;
	[tilespmem:$0x1D280] =	vst v63  }
0x55: {  	_ =	swait.ge [sflag:s22], $0x4000  }
0x56: {  	[sflag:s22] =	ssyncset.done $0x0  }
0x57: {  	s1 =	simm.s32 $0xD00;
	[sflag:s22] =	ssyncadd.s32 $0xFFFFC000  }
0x58: {  	[spmem:s3] =	stream.indirect.scatter.add.f32 [tilespmem:s20], [sflag:$0x3], $0x80, s1, s24, $0xb8;
	[tilespmem:$0x1D280] =	vst v63  }
0x59: {  	_ =	swait.ge [sflag:s21], $0x4000  }
0x5a: {  	[sflag:s21] =	ssyncset.done $0x0  }
0x5b: {  	s4 =	simm.s32 $0x100;
	[sflag:s21] =	ssyncadd.s32 $0xFFFFC000  }
0x5c: {  	[tilespmem:s20], [sflag:$0x1] =	stream.indirect.gather [hbm4b:s2+s24], $0x80, s4, s24, $0xb8;
	[tilespmem:$0x1D280] =	vst v63  }
0x5d: {  	_ =	swait.ge [sflag:s23], $0x4000  }
0x5e: {  	[sflag:s23] =	ssyncset.done $0x0  }
0x5f: {  	s19 =	simm.s32 $0xD80;
	[sflag:s23] =	ssyncadd.s32 $0xFFFFC000  }
0x60: {  	[spmem:s3] =	stream.indirect.scatter.add.f32 [tilespmem:s25], [sflag:$0x3], $0x80, s19, s24, $0xb8;
	[tilespmem:$0x1D280] =	vst v63  }
0x61: {  	_ =	swait.ge [sflag:s21], $0x4000  }
0x62: {  	[sflag:s21] =	ssyncset.done $0x0  }
0x63: {  	s0 =	simm.s32 $0x400;
	s1 =	simm.s32 $0x180;
	[sflag:s21] =	ssyncadd.s32 $0xFFFFC000  }
.LBB2_5:
0x64: {  	[tilespmem:s25], [sflag:$0x2] =	stream.indirect.gather [hbm4b:s2+s24], $0x80, s1, s24, $0xb8;
	[tilespmem:$0x1D280] =	vst v63  }
0x65: {  	s1 =	smov.u32 s0  }
0x66: {  	p1 =	sne.s32 s0, $0x2C00;
	s0 =	sadd.s32 $0x400, s0;
	_ =	swait.ge [sflag:s22], $0x4000  }
0x67: {  	s1 =	sshra.s32 s1, $0x2;
	[sflag:s22] =	ssyncset.done $0x0  }
0x68: {  	s4 =	sadd.s32 $0xD00, s1;
	[sflag:s22] =	ssyncadd.s32 $0xFFFFC000  }
0x69: {  	[spmem:s3] =	stream.indirect.scatter.add.f32 [tilespmem:s20], [sflag:$0x3], $0x80, s4, s24, $0xb8;
	[tilespmem:$0x1D280] =	vst v63  }
0x6a: {  	_ =	swait.ge [sflag:s21], $0x4000  }
0x6b: {  	[sflag:s21] =	ssyncset.done $0x0  }
0x6c: {  	s4 =	sadd.s32 $0x100, s1;
	[sflag:s21] =	ssyncadd.s32 $0xFFFFC000  }
0x6d: {  	[tilespmem:s20], [sflag:$0x1] =	stream.indirect.gather [hbm4b:s2+s24], $0x80, s4, s24, $0xb8;
	[tilespmem:$0x1D280] =	vst v63  }
0x6e: {  	_ =	swait.ge [sflag:s23], $0x4000  }
0x6f: {  	[sflag:s23] =	ssyncset.done $0x0  }
.Ltmp1:
0x70: {  	s4 =	sadd.s32 $0xD80, s1;
	[sflag:s23] =	ssyncadd.s32 $0xFFFFC000;
	(pc) =	sbr.rel @p1 .LBB2_5-.Ltmp1, $4  }
0x71: {  	[spmem:s3] =	stream.indirect.scatter.add.f32 [tilespmem:s25], [sflag:$0x3], $0x80, s4, s24, $0xb8;
	[tilespmem:$0x1D280] =	vst v63  }
0x72: {  	_ =	swait.ge [sflag:s21], $0x4000  }
0x73: {  	[sflag:s21] =	ssyncset.done $0x0  }
0x74: {  	s1 =	sadd.s32 $0x180, s1;
	[sflag:s21] =	ssyncadd.s32 $0xFFFFC000  }
0x75: {  	[tilespmem:s25], [sflag:$0x2] =	stream.indirect.gather [hbm4b:s2+s24], $0x80, s1, s24, $0xb8;
	[tilespmem:$0x1D280] =	vst v63  }
0x76: {  	_ =	swait.ge [sflag:s22], $0x4000  }
0x77: {  	[sflag:s22] =	ssyncset.done $0x0  }
0x78: {  	[sflag:s22] =	ssyncadd.s32 $0xFFFFC000  }
0x79: {  	[spmem:s3] =	stream.indirect.scatter.add.f32 [tilespmem:s20], [sflag:$0x3], $0x80, s26, s24, $0xb8;
	[tilespmem:$0x1D280] =	vst v63  }
0x7a: {  	_ =	swait.ge [sflag:s21], $0x4000  }
0x7b: {  	[sflag:s21] =	ssyncset.done $0x0  }
0x7c: {  	[sflag:s21] =	ssyncadd.s32 $0xFFFFC000  }
0x7d: {  	s31 =	sadd.s32 $0x1, s31;
	_ =	swait.ge [sflag:s23], $0x4000  }
0x7e: {  	p1 =	sne.s32 s31, $0x3;
	[sflag:s23] =	ssyncset.done $0x0  }
.Ltmp2:
0x7f: {  	[sflag:s23] =	ssyncadd.s32 $0xFFFFC000;
	(pc) =	sbr.rel @p1 .LBB2_4-.Ltmp2, $4  }
0x80: {  	[spmem:s3] =	stream.indirect.scatter.add.f32 [tilespmem:s25], [sflag:$0x3], $0x80, s28, s24, $0xb8;
	[tilespmem:$0x1D280] =	vst v63  }
0x81: {  	_ =	swait.ge [sflag:s21], $0x4000  }
0x82: {  	[sflag:s21] =	ssyncset.done $0x0  }
0x83: {  	[sflag:s21] =	ssyncadd.s32 $0xFFFFC000  }
0x84: {  	s0 =	simm.s32 @!p0 $0x0;
	s1 =	simm.s32 @!p0 $0x3  }
0x85: {  	[tilespmem:s0], [sflag:$0x3] =	stream.linear.gather @!p0 [hbm4b:s15+s0], $0x80, $0x38;
	[tilespmem:$0x1D280] =	vst v63  }
0x86: {  	_ =	swait.ge @!p0 [sflag:s1], $0x80  }
0x87: {  	[sflag:s1] =	ssyncset.done @!p0 $0x0  }
0x88: {  	s4 =	simm.s32 @!p0 $0xD00;
	[sflag:s1] =	ssyncadd.s32 @!p0 $0xFFFFFF80  }
0x89: {  	[tilespmem:s4], [sflag:$0x3] =	stream.linear.gather @!p0 [hbm4b:s16+s0], $0x80, $0x38;
	[tilespmem:$0x1D280] =	vst v63  }
0x8a: {  	_ =	swait.ge @!p0 [sflag:s1], $0x80  }
0x8b: {  	[sflag:s1] =	ssyncset.done @!p0 $0x0  }
0x8c: {  	s19 =	simm.s32 @!p0 $0x80;
	s30 =	simm.s32 @!p0 $0x1A00;
	[sflag:s1] =	ssyncadd.s32 @!p0 $0xFFFFFF80  }
0x8d: {  	[tilespmem:s30], [sflag:$0x1] =	stream.indirect.gather @!p0 [hbm4b:s2+s19], $0x80, s0, s19, $0xb8;
	[tilespmem:$0x1D280] =	vst v63  }
0x8e: {  	s0 =	simm.s32 @!p0 $0x1  }
0x8f: {  	_ =	swait.ge @!p0 [sflag:s0], $0x4000  }
0x90: {  	[sflag:s0] =	ssyncset.done @!p0 $0x0  }
0x91: {  	[sflag:s0] =	ssyncadd.s32 @!p0 $0xFFFFC000  }
0x92: {  	[spmem:s3] =	stream.indirect.scatter.add.f32 @!p0 [tilespmem:s30], [sflag:$0x3], $0x80, s4, s19, $0xb8;
	[tilespmem:$0x1D280] =	vst v63  }
0x93: {  	s31 =	sshrl.u32 s9, $0x3;
	_ =	swait.ge @!p0 [sflag:s1], $0x4000  }
0x94: {  	s29 =	sadd.s32 $0x1, s29;
	s30 =	stileid.u32;
	[sflag:s1] =	ssyncset.done @!p0 $0x0  }
0x95: {  	p1 =	sne.s32 s29, s18;
	s0 =	sshll.u32 s30, $0x6;
	[sflag:s1] =	ssyncadd.s32 @!p0 $0xFFFFC000  }
.Ltmp3:
0x96: {  	s0 =	sor.u32 $0x1C03, s0;
	[bflag:$0x0] =	sbarrier.arrive $0xFFFF;
	(pc) =	sbr.rel @p1 .LBB2_1-.Ltmp3, $4  }
0x97: {  	[hbm:s17], [sflag:s0] =	dma.local [spmem:s31], $0x2710  }
0x98: {  	_ =	swait.ge [sflag:s21], $0x2710  }
0x99: {  	[sflag:s21] =	ssyncset.done $0x0  }
0x9a: {  	[sflag:s21] =	ssyncadd.s32 $0xFFFFD8F0  }
0x9b: {  	_ =	sfence.sel $0x180000  }
0x9c: {  	[bflag:$0x0] =	sbarrier.arrive $0xFFFF  }
0x9d: {  	_ =	strace $0x90000047  }
0x9e: {  	s0 =	stileid.u32;
	[bflag:$0x2] =	sbarrier.arrive $0xFFFF  }
0x9f: {  	p0 =	sne.s32 s0, $0x0;
	s0 =	rddreg [dreg:$0x3]  }
0xa0: {  	s0 =	sadd.s32 @!p0 $0x100000, s0  }
0xa1: {  	[sflag:s0] =	ssyncadd.tile.s32 @!p0 $0x1;
	_ =	shalt  }
.Lfunc_end2:
_tile_overlayer_lowered:
.L_overlay_start_2:
0xa2: {  	(tag) =	ssettag $0x2  }
0xa3: {  	s0 =	rddreg [dreg:$0x0];
	s2 =	stileid.u32  }
0xa4: {  	s1 =	rddreg [dreg:$0x1];
	p0 =	sne.s32 s2, $0x0  }
0xa5: {  	s3 =	rddreg [dreg:$0x2];
	[bflag:$0x3] =	sbarrier.arrive $0xFFFF;
	s2 =	simm.s32 @!p0 $0x1C03  }
0xa6: {  	[timem:s3], [sflag:s2] =	dma.local @!p0 [hbm:s0], s1  }
0xa7: {  	s0 =	simm.s32 @!p0 $0x3  }
0xa8: {  	_ =	swait.ge @!p0 [sflag:s0], s1  }
0xa9: {  	s1 =	ssub.s32 @!p0 $0x0, s1;
	[sflag:s0] =	ssyncset.done @!p0 $0x0  }
0xaa: {  	[sflag:s0] =	ssyncadd.s32 @!p0 s1  }
0xab: {  	[bflag:$0x3] =	sbarrier.arrive $0xFFFF  }
0xac: {  	_ =	shalt  }

</sc_bundles>
